<compile_context>
chip_gen: v7x
topology: tpu7x:2x2x1
jax: 0.10.2.dev20260603
libtpu: 0.0.44.dev20260713+nightly
codegen_flags: <defaults>
</compile_context>

<pallas_src>
import functools

import jax
import jax.numpy as jnp
from jax import lax
from jax.experimental import pallas as pl
from jax.experimental.pallas import tpu as pltpu
from jax.experimental.pallas import tpu_sc as plsc

NC = 2
NS = 16
NW = NC * NS



LANES = 128
SPILL = 8


def _deg_kernel_call(src_pad, zeros_n, ones_c, n, rpw):
    zstripe = n // 10
    mesh = plsc.VectorSubcoreMesh(core_axis_name="c", subcore_axis_name="s")

    @functools.partial(
        pl.kernel,
        out_type=jax.ShapeDtypeStruct((NC * n,), jnp.float32),
        mesh=mesh,
        scratch_types=[
            pltpu.VMEM((rpw, LANES), jnp.int32),
            pltpu.VMEM((LANES,), jnp.float32),
            pltpu.VMEM((zstripe,), jnp.float32),
            pltpu.VMEM_SHARED((n + SPILL,), jnp.float32),
        ],
        compiler_params=pltpu.CompilerParams(use_tc_tiling_on_sc=False),
    )
    def deg_kernel(src_hbm, zeros_hbm, ones_hbm, out_hbm, idx_v, ones_v,
                   stripe_v, acc):
        cid = lax.axis_index("c")
        sid = lax.axis_index("s")
        wid = sid * NC + cid

        pltpu.sync_copy(src_hbm.at[pl.ds(wid * rpw, rpw)], idx_v)
        pltpu.sync_copy(ones_hbm, ones_v)

        @pl.when(sid < 10)
        def _zero():
            pltpu.sync_copy(zeros_hbm.at[pl.ds(sid * zstripe, zstripe)],
                            stripe_v)
            pltpu.sync_copy(stripe_v, acc.at[pl.ds(sid * zstripe, zstripe)])

        plsc.subcore_barrier()

        def body(i, carry):
            pltpu.sync_copy(ones_v, acc.at[idx_v.at[i]], add=True)
            return carry

        lax.fori_loop(0, rpw, body, 0)
        plsc.subcore_barrier()

        @pl.when(sid < 10)
        def _write():
            pltpu.sync_copy(acc.at[pl.ds(sid * zstripe, zstripe)], stripe_v)
            pltpu.sync_copy(stripe_v,
                            out_hbm.at[pl.ds(cid * n + sid * zstripe, zstripe)])

    return deg_kernel(src_pad, zeros_n, ones_c)


def _segsum_kernel_call(table, pidx, zeros_nd, n, d, rpw):
    U = 1
    rps = n // NS
    mesh = plsc.VectorSubcoreMesh(core_axis_name="c", subcore_axis_name="s")

    @functools.partial(
        pl.kernel,
        out_type=jax.ShapeDtypeStruct((NC * n, d), jnp.float32),
        mesh=mesh,
        scratch_types=(
            [pltpu.VMEM((2, rpw, LANES), jnp.int32),
             pltpu.VMEM((rps, d), jnp.float32),
             pltpu.VMEM_SHARED((n + SPILL, d), jnp.float32)]
            + [pltpu.VMEM((LANES, d), jnp.float32)]
            + [pltpu.SemaphoreType.DMA]
        ),
        compiler_params=pltpu.CompilerParams(use_tc_tiling_on_sc=False),
    )
    def seg_kernel(table_hbm, pidx_hbm, zeros_hbm, out_hbm,
                   pidx_v, stripe_v, acc, *bufs):
        rows = bufs[0]
        sem_g = bufs[1]
        cid = lax.axis_index("c")
        sid = lax.axis_index("s")
        wid = sid * NC + cid

        pltpu.sync_copy(pidx_hbm.at[:, pl.ds(wid * rpw, rpw), :], pidx_v)

        pltpu.sync_copy(zeros_hbm.at[pl.ds(sid * rps, rps)], stripe_v)
        pltpu.sync_copy(stripe_v, acc.at[pl.ds(sid * rps, rps)])
        plsc.subcore_barrier()

        def body(g, carry):
            pltpu.async_copy(table_hbm.at[pidx_v.at[0, g]],
                             rows, sem_g).wait()
            pltpu.sync_copy(rows, acc.at[pidx_v.at[1, g]], add=True)
            return carry

        lax.fori_loop(0, rpw, body, 0)
        plsc.subcore_barrier()

        pltpu.sync_copy(acc.at[pl.ds(sid * rps, rps)], stripe_v)
        pltpu.sync_copy(stripe_v,
                        out_hbm.at[pl.ds(cid * n + sid * rps, rps)])

    return seg_kernel(table, pidx, zeros_nd)



def _dis_from_deg(deg_blk):
    deg = deg_blk[:, 0:1] + deg_blk[:, 1:2]
    safe = jnp.where(deg > 0, deg, 1.0)
    return jnp.where(deg > 0, lax.rsqrt(safe), 0.0)


def _tc1_call(x, wcat, deg_t, n, f, hid, r):
    def body(x_ref, w_ref, deg_ref, y1_ref, z1_ref):
        xw = jnp.dot(x_ref[...], w_ref[...],
                     preferred_element_type=jnp.float32)
        dis = _dis_from_deg(deg_ref[...])
        y1_ref[...] = xw[:, :hid]
        z1_ref[...] = xw[:, hid:] * dis

    return pl.pallas_call(
        body,
        grid=(n // r,),
        in_specs=[
            pl.BlockSpec((r, f), lambda i: (i, 0)),
            pl.BlockSpec((f, 2 * hid), lambda i: (0, 0)),
            pl.BlockSpec((r, 2), lambda i: (i, 0)),
        ],
        out_specs=[
            pl.BlockSpec((r, hid), lambda i: (i, 0)),
            pl.BlockSpec((r, hid), lambda i: (i, 0)),
        ],
        out_shape=[
            jax.ShapeDtypeStruct((n, hid), jnp.float32),
            jax.ShapeDtypeStruct((n, hid), jnp.float32),
        ],
    )(x, wcat, deg_t)


def _tc2_call(y1, s1p, deg_t, b1, wcat2, n, hid, ncls, dpad, r):
    wcols = ncls + dpad

    def body(y1_ref, s_ref, deg_ref, b_ref, w_ref, y2_ref, z2_ref):
        dis = _dis_from_deg(deg_ref[...])
        s = s_ref[0] + s_ref[1]
        h = jax.nn.relu(y1_ref[...] - dis * s + b_ref[...])
        hw = jnp.dot(h, w_ref[...], preferred_element_type=jnp.float32)
        y2_ref[...] = hw[:, :ncls]
        z2_ref[...] = hw[:, ncls:] * dis

    return pl.pallas_call(
        body,
        grid=(n // r,),
        in_specs=[
            pl.BlockSpec((r, hid), lambda i: (i, 0)),
            pl.BlockSpec((2, r, hid), lambda i: (0, i, 0)),
            pl.BlockSpec((r, 2), lambda i: (i, 0)),
            pl.BlockSpec((1, hid), lambda i: (0, 0)),
            pl.BlockSpec((hid, wcols), lambda i: (0, 0)),
        ],
        out_specs=[
            pl.BlockSpec((r, ncls), lambda i: (i, 0)),
            pl.BlockSpec((r, dpad), lambda i: (i, 0)),
        ],
        out_shape=[
            jax.ShapeDtypeStruct((n, ncls), jnp.float32),
            jax.ShapeDtypeStruct((n, dpad), jnp.float32),
        ],
    )(y1, s1p, deg_t, b1, wcat2)


def _tc3_call(y2, s2p, deg_t, b2, n, ncls, dpad, r):
    def body(y2_ref, s_ref, deg_ref, b_ref, out_ref):
        dis = _dis_from_deg(deg_ref[...])
        s = (s_ref[0] + s_ref[1])[:, :ncls]
        logits = y2_ref[...] - dis * s + b_ref[...]
        m = jnp.max(logits, axis=1, keepdims=True)
        shifted = logits - m
        lse = jnp.log(jnp.sum(jnp.exp(shifted), axis=1, keepdims=True))
        out_ref[...] = shifted - lse

    return pl.pallas_call(
        body,
        grid=(n // r,),
        in_specs=[
            pl.BlockSpec((r, ncls), lambda i: (i, 0)),
            pl.BlockSpec((2, r, dpad), lambda i: (0, i, 0)),
            pl.BlockSpec((r, 2), lambda i: (i, 0)),
            pl.BlockSpec((1, ncls), lambda i: (0, 0)),
        ],
        out_specs=pl.BlockSpec((r, ncls), lambda i: (i, 0)),
        out_shape=jax.ShapeDtypeStruct((n, ncls), jnp.float32),
    )(y2, s2p, deg_t, b2)



def kernel(x, edge_index, W0_1, W1_1, b1, W0_2, W1_2, b2):
    n, f = x.shape
    e = edge_index.shape[1]
    hid = W0_1.shape[1]
    ncls = W0_2.shape[1]
    dpad = 40
    r = 1000

    rows_tot = e // LANES
    rpw = -(-rows_tot // NW)
    pad_rows = NW * rpw - rows_tot
    src2d = edge_index[0].reshape(rows_tot, LANES)
    dst2d = edge_index[1].reshape(rows_tot, LANES)
    pad_spill = n + (jnp.arange(pad_rows * LANES, dtype=jnp.int32)
                     % SPILL).reshape(pad_rows, LANES)
    src_g = jnp.pad(src2d, ((0, pad_rows), (0, 0)))
    dst_s = jnp.concatenate([dst2d, pad_spill], axis=0)
    pidx = jnp.stack([src_g, dst_s])
    src_deg = jnp.concatenate([src2d, pad_spill], axis=0)

    zeros_n = jnp.zeros((n,), jnp.float32)
    ones_c = jnp.ones((LANES,), jnp.float32)
    deg_p = _deg_kernel_call(src_deg, zeros_n, ones_c, n, rpw)
    deg_t = deg_p.reshape(NC, n).T

    wcat1 = jnp.concatenate([W0_1, W1_1], axis=1)
    y1, z1 = _tc1_call(x, wcat1, deg_t, n, f, hid, r)

    zeros_nh = jnp.zeros((n, hid), jnp.float32)
    s1p = _segsum_kernel_call(z1, pidx, zeros_nh, n, hid, rpw)
    s1p = s1p.reshape(NC, n, hid)

    wcat2 = jnp.concatenate(
        [W0_2, W1_2, jnp.zeros((hid, dpad - ncls), jnp.float32)], axis=1)
    y2, z2 = _tc2_call(y1, s1p, deg_t, b1.reshape(1, hid), wcat2,
                       n, hid, ncls, dpad, r)

    zeros_nd = jnp.zeros((n, dpad), jnp.float32)
    s2p = _segsum_kernel_call(z2, pidx, zeros_nd, n, dpad, rpw)
    s2p = s2p.reshape(NC, n, dpad)

    return _tc3_call(y2, s2p, deg_t, b2.reshape(1, ncls), n, ncls, dpad, r)

# --- scband reference (transcript-rebuilt; emitter-appended) ---
"""Pipeline reference for scband-cheb-net-15530601743030 (READ-ONLY COPY).

The authoritative reference and input builder live on the scoring server;
editing this copy changes nothing except your own understanding.
"""

import jax, jax.numpy as jnp
import numpy as np

N_NODES = 10000
N_EDGES = 320000
F_IN = 128
HID = 32
N_CLASSES = 40


def setup_inputs(seed: int = 0) -> dict:
    key = jax.random.key(seed)
    ks = jax.random.split(key, 9)
    x = jax.random.normal(ks[0], (N_NODES, F_IN), dtype=jnp.float32)
    edge_index = jax.random.randint(ks[1], (2, N_EDGES), 0, N_NODES, dtype=jnp.int32)
    # ChebConv(128, 32, K=2): lins = [Linear(128,32,bias=False)]*2, bias[32]
    s1 = (6.0 / (F_IN + HID)) ** 0.5
    W0_1 = jax.random.uniform(ks[2], (F_IN, HID), jnp.float32, -s1, s1)
    W1_1 = jax.random.uniform(ks[3], (F_IN, HID), jnp.float32, -s1, s1)
    b1 = jnp.zeros((HID,), jnp.float32)
    # ChebConv(32, 40, K=2)
    s2 = (6.0 / (HID + N_CLASSES)) ** 0.5
    W0_2 = jax.random.uniform(ks[4], (HID, N_CLASSES), jnp.float32, -s2, s2)
    W1_2 = jax.random.uniform(ks[5], (HID, N_CLASSES), jnp.float32, -s2, s2)
    b2 = jnp.zeros((N_CLASSES,), jnp.float32)
    return {"x": x, "edge_index": edge_index, "W0_1": W0_1, "W1_1": W1_1,
            "b1": b1, "W0_2": W0_2, "W1_2": W1_2, "b2": b2}


def _cheb_conv_k2(x, src, dst, W0, W1, b):
    # PyG ChebConv with K=2, normalization='sym', lambda_max=2.0:
    #   L_hat = 2L/lambda_max - I = -D^{-1/2} A D^{-1/2}
    # out = x @ W0 + (L_hat x) @ W1 + b
    n = x.shape[0]
    ones = jnp.ones(src.shape[0], dtype=x.dtype)
    deg = jax.ops.segment_sum(ones, src, num_segments=n)
    deg_inv_sqrt = jnp.where(deg > 0, jax.lax.rsqrt(jnp.where(deg > 0, deg, 1.0)), 0.0)
    w = -(deg_inv_sqrt[src] * deg_inv_sqrt[dst])  # diagonal of L_hat is exactly 0
    Tx1 = jax.ops.segment_sum(w[:, None] * x[src], dst, num_segments=n)
    return x @ W0 + Tx1 @ W1 + b


def reference(x, edge_index, W0_1, W1_1, b1, W0_2, W1_2, b2):
    src, dst = edge_index[0], edge_index[1]
    h = jax.nn.relu(_cheb_conv_k2(x, src, dst, W0_1, W1_1, b1))
    # dropout is identity in eval mode
    h = _cheb_conv_k2(h, src, dst, W0_2, W1_2, b2)
    return jax.nn.log_softmax(h, axis=1)

if __name__ == "__main__":
    import jax
    _d = setup_inputs()
    print(jax.jit(kernel)(*tuple(_d.values())))

</pallas_src>

<mosaic_0001>
#map = affine_map<(d0, d1) -> (0, 0)>
#map1 = affine_map<(d0, d1) -> (0, 0, 0)>
module attributes {stable_mosaic.version = 14 : i64} {
  func.func @seg_kernel(%arg0: i32, %arg1: i32, %arg2: memref<10000x40xf32, #tpu.memory_space<hbm>>, %arg3: memref<2x2528x128xi32, #tpu.memory_space<hbm>>, %arg4: memref<10000x40xf32, #tpu.memory_space<hbm>>, %arg5: memref<20000x40xf32, #tpu.memory_space<hbm>>, %arg6: memref<2x79x128xi32, #tpu.memory_space<vmem>>, %arg7: memref<625x40xf32, #tpu.memory_space<vmem>>, %arg8: memref<10008x40xf32, #tpu.memory_space<vmem_shared>>, %arg9: memref<128x40xf32, #tpu.memory_space<vmem>>, %arg10: memref<!tpu.dma_semaphore, #tpu.memory_space<semaphore_mem>>) attributes {dimension_semantics = [#tpu.dimension_semantics<core_parallel>, #tpu.dimension_semantics<subcore_parallel>], iteration_bounds = array<i64: 2, 16>, scalar_prefetch = 0 : i64, scratch_operands = 5 : i64, tpu.core_type = #tpu.core_type<sc_vector_subcore>, window_params = [{transform_indices = #map}, {transform_indices = #map1}, {transform_indices = #map}, {transform_indices = #map}]} {
    %mul3A = arith.constant 2 : i32
    %mul3A_0 = arith.muli %arg1, %mul3A : i32
    %add3A = arith.addi %mul3A_0, %arg0 : i32
    %mul3A_1 = arith.constant 79 : i32
    %mul3A_2 = arith.muli %add3A, %mul3A_1 : i32
    "tpu.region"() ({
      %run_scoped3A = tpu.sem_alloc : memref<!tpu.dma_semaphore, #tpu.memory_space<semaphore_mem>>
      %dma_start3A = arith.constant 0 : i32
      %dma_start3A_20 = arith.constant 0 : i32
      %dma_start3A_21 = tpu.memref_slice %arg3[%dma_start3A, %mul3A_2, %dma_start3A_20] : memref<2x2528x128xi32, #tpu.memory_space<hbm>> -> memref<2x79x128xi32, #tpu.memory_space<hbm>>
      %dma_start3A_22 = arith.constant 0 : i32
      %dma_start3A_23 = arith.constant 0 : i32
      %dma_start3A_24 = tpu.memref_slice %arg3[%dma_start3A_22, %mul3A_2, %dma_start3A_23] : memref<2x2528x128xi32, #tpu.memory_space<hbm>> -> memref<2x79x128xi32, #tpu.memory_space<hbm>>
      tpu.enqueue_dma source(%dma_start3A_24 : memref<2x79x128xi32, #tpu.memory_space<hbm>>) target(%arg6 : memref<2x79x128xi32, #tpu.memory_space<vmem>>) target_semaphore(%run_scoped3A : memref<!tpu.dma_semaphore, #tpu.memory_space<semaphore_mem>>)
      %dma_wait3A = arith.constant 0 : i32
      %dma_wait3A_25 = arith.constant 0 : i32
      %dma_wait3A_26 = tpu.memref_slice %arg3[%dma_wait3A, %mul3A_2, %dma_wait3A_25] : memref<2x2528x128xi32, #tpu.memory_space<hbm>> -> memref<2x79x128xi32, #tpu.memory_space<hbm>>
      %dma_wait3A_27 = arith.constant 0 : i32
      %dma_wait3A_28 = arith.constant 0 : i32
      %dma_wait3A_29 = tpu.memref_slice %arg3[%dma_wait3A_27, %mul3A_2, %dma_wait3A_28] : memref<2x2528x128xi32, #tpu.memory_space<hbm>> -> memref<2x79x128xi32, #tpu.memory_space<hbm>>
      tpu.wait_dma2 semaphore(%run_scoped3A : memref<!tpu.dma_semaphore, #tpu.memory_space<semaphore_mem>>) src(%dma_wait3A_29 : memref<2x79x128xi32, #tpu.memory_space<hbm>>) dst(%arg6 : memref<2x79x128xi32, #tpu.memory_space<vmem>>)
      tpu.yield
    }) : () -> ()
    %mul3A_3 = arith.constant 625 : i32
    %mul3A_4 = arith.muli %arg1, %mul3A_3 : i32
    "tpu.region"() ({
      %run_scoped3A = tpu.sem_alloc : memref<!tpu.dma_semaphore, #tpu.memory_space<semaphore_mem>>
      %dma_start3A = arith.constant 0 : i32
      %dma_start3A_20 = tpu.memref_slice %arg4[%mul3A_4, %dma_start3A] : memref<10000x40xf32, #tpu.memory_space<hbm>> -> memref<625x40xf32, #tpu.memory_space<hbm>>
      %dma_start3A_21 = arith.constant 0 : i32
      %dma_start3A_22 = tpu.memref_slice %arg4[%mul3A_4, %dma_start3A_21] : memref<10000x40xf32, #tpu.memory_space<hbm>> -> memref<625x40xf32, #tpu.memory_space<hbm>>
      tpu.enqueue_dma source(%dma_start3A_22 : memref<625x40xf32, #tpu.memory_space<hbm>>) target(%arg7 : memref<625x40xf32, #tpu.memory_space<vmem>>) target_semaphore(%run_scoped3A : memref<!tpu.dma_semaphore, #tpu.memory_space<semaphore_mem>>)
      %dma_wait3A = arith.constant 0 : i32
      %dma_wait3A_23 = tpu.memref_slice %arg4[%mul3A_4, %dma_wait3A] : memref<10000x40xf32, #tpu.memory_space<hbm>> -> memref<625x40xf32, #tpu.memory_space<hbm>>
      %dma_wait3A_24 = arith.constant 0 : i32
      %dma_wait3A_25 = tpu.memref_slice %arg4[%mul3A_4, %dma_wait3A_24] : memref<10000x40xf32, #tpu.memory_space<hbm>> -> memref<625x40xf32, #tpu.memory_space<hbm>>
      tpu.wait_dma2 semaphore(%run_scoped3A : memref<!tpu.dma_semaphore, #tpu.memory_space<semaphore_mem>>) src(%dma_wait3A_25 : memref<625x40xf32, #tpu.memory_space<hbm>>) dst(%arg7 : memref<625x40xf32, #tpu.memory_space<vmem>>)
      tpu.yield
    }) : () -> ()
    %mul3A_5 = arith.constant 625 : i32
    %mul3A_6 = arith.muli %arg1, %mul3A_5 : i32
    "tpu.region"() ({
      %run_scoped3A = tpu.sem_alloc : memref<!tpu.dma_semaphore, #tpu.memory_space<semaphore_mem>>
      %dma_start3A = arith.constant 0 : i32
      %dma_start3A_20 = tpu.memref_slice %arg8[%mul3A_6, %dma_start3A] : memref<10008x40xf32, #tpu.memory_space<vmem_shared>> -> memref<625x40xf32, #tpu.memory_space<vmem_shared>>
      %dma_start3A_21 = arith.constant 0 : i32
      %dma_start3A_22 = tpu.memref_slice %arg8[%mul3A_6, %dma_start3A_21] : memref<10008x40xf32, #tpu.memory_space<vmem_shared>> -> memref<625x40xf32, #tpu.memory_space<vmem_shared>>
      tpu.enqueue_dma source(%arg7 : memref<625x40xf32, #tpu.memory_space<vmem>>) target(%dma_start3A_22 : memref<625x40xf32, #tpu.memory_space<vmem_shared>>) target_semaphore(%run_scoped3A : memref<!tpu.dma_semaphore, #tpu.memory_space<semaphore_mem>>)
      %dma_wait3A = arith.constant 0 : i32
      %dma_wait3A_23 = tpu.memref_slice %arg8[%mul3A_6, %dma_wait3A] : memref<10008x40xf32, #tpu.memory_space<vmem_shared>> -> memref<625x40xf32, #tpu.memory_space<vmem_shared>>
      %dma_wait3A_24 = arith.constant 0 : i32
      %dma_wait3A_25 = tpu.memref_slice %arg8[%mul3A_6, %dma_wait3A_24] : memref<10008x40xf32, #tpu.memory_space<vmem_shared>> -> memref<625x40xf32, #tpu.memory_space<vmem_shared>>
      tpu.wait_dma2 semaphore(%run_scoped3A : memref<!tpu.dma_semaphore, #tpu.memory_space<semaphore_mem>>) src(%arg7 : memref<625x40xf32, #tpu.memory_space<vmem>>) dst(%dma_wait3A_25 : memref<625x40xf32, #tpu.memory_space<vmem_shared>>)
      tpu.yield
    }) : () -> ()
    %barrier3A = arith.constant 0 : index
    tpu.barrier barrier_id(%barrier3A)
    %scan3A = arith.constant 0 : i32
    %scan3A_7 = arith.constant 0 : i32
    %scan3A_8 = arith.constant 79 : i32
    %scan3A_9 = arith.addi %scan3A_7, %scan3A_8 : i32
    %scan3A_10 = arith.constant 1 : i32
    scf.for %scan3A_20 = %scan3A_7 to %scan3A_9 step %scan3A_10  : i32 {
      %dma_start3A = arith.constant 0 : i32
      %dma_start3A_21 = arith.constant 0 : i32
      %dma_start3A_22 = tpu.memref_slice %arg6[%dma_start3A, %scan3A_20, %dma_start3A_21] : memref<2x79x128xi32, #tpu.memory_space<vmem>> -> memref<1x1x128xi32, #tpu.memory_space<vmem>>
      %dma_start3A_23 = tpu.memref_squeeze %dma_start3A_22 : memref<1x1x128xi32, #tpu.memory_space<vmem>> -> memref<128xi32, #tpu.memory_space<vmem>>
      %dma_start3A_24 = arith.constant 0 : i32
      %dma_start3A_25 = arith.constant 0 : i32
      %dma_start3A_26 = tpu.memref_slice %arg2[%dma_start3A_24, %dma_start3A_25] : memref<10000x40xf32, #tpu.memory_space<hbm>> -> memref<10000x40xf32, #tpu.memory_space<hbm>>
      tpu.enqueue_indirect_dma source(%dma_start3A_26 : memref<10000x40xf32, #tpu.memory_space<hbm>>) target(%arg9 : memref<128x40xf32, #tpu.memory_space<vmem>>) offsets(%dma_start3A_23 : memref<128xi32, #tpu.memory_space<vmem>>) semaphore(%arg10 : memref<!tpu.dma_semaphore, #tpu.memory_space<semaphore_mem>>)
      %dma_wait3A = arith.constant 0 : i32
      %dma_wait3A_27 = arith.constant 0 : i32
      %dma_wait3A_28 = tpu.memref_slice %arg6[%dma_wait3A, %scan3A_20, %dma_wait3A_27] : memref<2x79x128xi32, #tpu.memory_space<vmem>> -> memref<1x1x128xi32, #tpu.memory_space<vmem>>
      %dma_wait3A_29 = tpu.memref_squeeze %dma_wait3A_28 : memref<1x1x128xi32, #tpu.memory_space<vmem>> -> memref<128xi32, #tpu.memory_space<vmem>>
      %dma_wait3A_30 = arith.constant 0 : i32
      %dma_wait3A_31 = arith.constant 0 : i32
      %dma_wait3A_32 = tpu.memref_slice %arg2[%dma_wait3A_30, %dma_wait3A_31] : memref<10000x40xf32, #tpu.memory_space<hbm>> -> memref<10000x40xf32, #tpu.memory_space<hbm>>
      tpu.wait_indirect_dma semaphore(%arg10 : memref<!tpu.dma_semaphore, #tpu.memory_space<semaphore_mem>>) src(%dma_wait3A_32 : memref<10000x40xf32, #tpu.memory_space<hbm>>) dst(%arg9 : memref<128x40xf32, #tpu.memory_space<vmem>>)
      %run_scoped3A = arith.constant 1 : i32
      "tpu.region"() ({
        %run_scoped3A_33 = tpu.sem_alloc : memref<!tpu.dma_semaphore, #tpu.memory_space<semaphore_mem>>
        %dma_start3A_34 = arith.constant 0 : i32
        %dma_start3A_35 = tpu.memref_slice %arg6[%run_scoped3A, %scan3A_20, %dma_start3A_34] : memref<2x79x128xi32, #tpu.memory_space<vmem>> -> memref<1x1x128xi32, #tpu.memory_space<vmem>>
        %dma_start3A_36 = tpu.memref_squeeze %dma_start3A_35 : memref<1x1x128xi32, #tpu.memory_space<vmem>> -> memref<128xi32, #tpu.memory_space<vmem>>
        %dma_start3A_37 = arith.constant 0 : i32
        %dma_start3A_38 = arith.constant 0 : i32
        %dma_start3A_39 = tpu.memref_slice %arg8[%dma_start3A_37, %dma_start3A_38] : memref<10008x40xf32, #tpu.memory_space<vmem_shared>> -> memref<10008x40xf32, #tpu.memory_space<vmem_shared>>
        tpu.enqueue_indirect_dma source(%arg9 : memref<128x40xf32, #tpu.memory_space<vmem>>) target(%dma_start3A_39 : memref<10008x40xf32, #tpu.memory_space<vmem_shared>>) offsets(%dma_start3A_36 : memref<128xi32, #tpu.memory_space<vmem>>) semaphore(%run_scoped3A_33 : memref<!tpu.dma_semaphore, #tpu.memory_space<semaphore_mem>>) {add = true}
        %dma_wait3A_40 = arith.constant 0 : i32
        %dma_wait3A_41 = tpu.memref_slice %arg6[%run_scoped3A, %scan3A_20, %dma_wait3A_40] : memref<2x79x128xi32, #tpu.memory_space<vmem>> -> memref<1x1x128xi32, #tpu.memory_space<vmem>>
        %dma_wait3A_42 = tpu.memref_squeeze %dma_wait3A_41 : memref<1x1x128xi32, #tpu.memory_space<vmem>> -> memref<128xi32, #tpu.memory_space<vmem>>
        %dma_wait3A_43 = arith.constant 0 : i32
        %dma_wait3A_44 = arith.constant 0 : i32
        %dma_wait3A_45 = tpu.memref_slice %arg8[%dma_wait3A_43, %dma_wait3A_44] : memref<10008x40xf32, #tpu.memory_space<vmem_shared>> -> memref<10008x40xf32, #tpu.memory_space<vmem_shared>>
        tpu.wait_indirect_dma semaphore(%run_scoped3A_33 : memref<!tpu.dma_semaphore, #tpu.memory_space<semaphore_mem>>) src(%arg9 : memref<128x40xf32, #tpu.memory_space<vmem>>) dst(%dma_wait3A_45 : memref<10008x40xf32, #tpu.memory_space<vmem_shared>>)
        tpu.yield
      }) : () -> ()
    }
    %scan3A_11 = arith.constant 79 : i32
    %barrier3A_12 = arith.constant 0 : index
    tpu.barrier barrier_id(%barrier3A_12)
    %mul3A_13 = arith.constant 625 : i32
    %mul3A_14 = arith.muli %arg1, %mul3A_13 : i32
    "tpu.region"() ({
      %run_scoped3A = tpu.sem_alloc : memref<!tpu.dma_semaphore, #tpu.memory_space<semaphore_mem>>
      %dma_start3A = arith.constant 0 : i32
      %dma_start3A_20 = tpu.memref_slice %arg8[%mul3A_14, %dma_start3A] : memref<10008x40xf32, #tpu.memory_space<vmem_shared>> -> memref<625x40xf32, #tpu.memory_space<vmem_shared>>
      %dma_start3A_21 = arith.constant 0 : i32
      %dma_start3A_22 = tpu.memref_slice %arg8[%mul3A_14, %dma_start3A_21] : memref<10008x40xf32, #tpu.memory_space<vmem_shared>> -> memref<625x40xf32, #tpu.memory_space<vmem_shared>>
      tpu.enqueue_dma source(%dma_start3A_22 : memref<625x40xf32, #tpu.memory_space<vmem_shared>>) target(%arg7 : memref<625x40xf32, #tpu.memory_space<vmem>>) target_semaphore(%run_scoped3A : memref<!tpu.dma_semaphore, #tpu.memory_space<semaphore_mem>>)
      %dma_wait3A = arith.constant 0 : i32
      %dma_wait3A_23 = tpu.memref_slice %arg8[%mul3A_14, %dma_wait3A] : memref<10008x40xf32, #tpu.memory_space<vmem_shared>> -> memref<625x40xf32, #tpu.memory_space<vmem_shared>>
      %dma_wait3A_24 = arith.constant 0 : i32
      %dma_wait3A_25 = tpu.memref_slice %arg8[%mul3A_14, %dma_wait3A_24] : memref<10008x40xf32, #tpu.memory_space<vmem_shared>> -> memref<625x40xf32, #tpu.memory_space<vmem_shared>>
      tpu.wait_dma2 semaphore(%run_scoped3A : memref<!tpu.dma_semaphore, #tpu.memory_space<semaphore_mem>>) src(%dma_wait3A_25 : memref<625x40xf32, #tpu.memory_space<vmem_shared>>) dst(%arg7 : memref<625x40xf32, #tpu.memory_space<vmem>>)
      tpu.yield
    }) : () -> ()
    %mul3A_15 = arith.constant 10000 : i32
    %mul3A_16 = arith.muli %arg0, %mul3A_15 : i32
    %mul3A_17 = arith.constant 625 : i32
    %mul3A_18 = arith.muli %arg1, %mul3A_17 : i32
    %add3A_19 = arith.addi %mul3A_16, %mul3A_18 : i32
    "tpu.region"() ({
      %run_scoped3A = tpu.sem_alloc : memref<!tpu.dma_semaphore, #tpu.memory_space<semaphore_mem>>
      %dma_start3A = arith.constant 0 : i32
      %dma_start3A_20 = tpu.memref_slice %arg5[%add3A_19, %dma_start3A] : memref<20000x40xf32, #tpu.memory_space<hbm>> -> memref<625x40xf32, #tpu.memory_space<hbm>>
      %dma_start3A_21 = arith.constant 0 : i32
      %dma_start3A_22 = tpu.memref_slice %arg5[%add3A_19, %dma_start3A_21] : memref<20000x40xf32, #tpu.memory_space<hbm>> -> memref<625x40xf32, #tpu.memory_space<hbm>>
      tpu.enqueue_dma source(%arg7 : memref<625x40xf32, #tpu.memory_space<vmem>>) target(%dma_start3A_22 : memref<625x40xf32, #tpu.memory_space<hbm>>) target_semaphore(%run_scoped3A : memref<!tpu.dma_semaphore, #tpu.memory_space<semaphore_mem>>)
      %dma_wait3A = arith.constant 0 : i32
      %dma_wait3A_23 = tpu.memref_slice %arg5[%add3A_19, %dma_wait3A] : memref<20000x40xf32, #tpu.memory_space<hbm>> -> memref<625x40xf32, #tpu.memory_space<hbm>>
      %dma_wait3A_24 = arith.constant 0 : i32
      %dma_wait3A_25 = tpu.memref_slice %arg5[%add3A_19, %dma_wait3A_24] : memref<20000x40xf32, #tpu.memory_space<hbm>> -> memref<625x40xf32, #tpu.memory_space<hbm>>
      tpu.wait_dma2 semaphore(%run_scoped3A : memref<!tpu.dma_semaphore, #tpu.memory_space<semaphore_mem>>) src(%arg7 : memref<625x40xf32, #tpu.memory_space<vmem>>) dst(%dma_wait3A_25 : memref<625x40xf32, #tpu.memory_space<hbm>>)
      tpu.yield
    }) : () -> ()
    return
  }
}

#map = affine_map<(d0, d1) -> (0, 0)>
#map1 = affine_map<(d0, d1) -> (0, 0, 0)>
module attributes {stable_mosaic.version = 14 : i64} {
  func.func @seg_kernel(%arg0: i32, %arg1: i32, %arg2: memref<10000x32xf32, #tpu.memory_space<hbm>>, %arg3: memref<2x2528x128xi32, #tpu.memory_space<hbm>>, %arg4: memref<10000x32xf32, #tpu.memory_space<hbm>>, %arg5: memref<20000x32xf32, #tpu.memory_space<hbm>>, %arg6: memref<2x79x128xi32, #tpu.memory_space<vmem>>, %arg7: memref<625x32xf32, #tpu.memory_space<vmem>>, %arg8: memref<10008x32xf32, #tpu.memory_space<vmem_shared>>, %arg9: memref<128x32xf32, #tpu.memory_space<vmem>>, %arg10: memref<!tpu.dma_semaphore, #tpu.memory_space<semaphore_mem>>) attributes {dimension_semantics = [#tpu.dimension_semantics<core_parallel>, #tpu.dimension_semantics<subcore_parallel>], iteration_bounds = array<i64: 2, 16>, scalar_prefetch = 0 : i64, scratch_operands = 5 : i64, tpu.core_type = #tpu.core_type<sc_vector_subcore>, window_params = [{transform_indices = #map}, {transform_indices = #map1}, {transform_indices = #map}, {transform_indices = #map}]} {
    %mul3A = arith.constant 2 : i32
    %mul3A_0 = arith.muli %arg1, %mul3A : i32
    %add3A = arith.addi %mul3A_0, %arg0 : i32
    %mul3A_1 = arith.constant 79 : i32
    %mul3A_2 = arith.muli %add3A, %mul3A_1 : i32
    "tpu.region"() ({
      %run_scoped3A = tpu.sem_alloc : memref<!tpu.dma_semaphore, #tpu.memory_space<semaphore_mem>>
      %dma_start3A = arith.constant 0 : i32
      %dma_start3A_20 = arith.constant 0 : i32
      %dma_start3A_21 = tpu.memref_slice %arg3[%dma_start3A, %mul3A_2, %dma_start3A_20] : memref<2x2528x128xi32, #tpu.memory_space<hbm>> -> memref<2x79x128xi32, #tpu.memory_space<hbm>>
      %dma_start3A_22 = arith.constant 0 : i32
      %dma_start3A_23 = arith.constant 0 : i32
      %dma_start3A_24 = tpu.memref_slice %arg3[%dma_start3A_22, %mul3A_2, %dma_start3A_23] : memref<2x2528x128xi32, #tpu.memory_space<hbm>> -> memref<2x79x128xi32, #tpu.memory_space<hbm>>
      tpu.enqueue_dma source(%dma_start3A_24 : memref<2x79x128xi32, #tpu.memory_space<hbm>>) target(%arg6 : memref<2x79x128xi32, #tpu.memory_space<vmem>>) target_semaphore(%run_scoped3A : memref<!tpu.dma_semaphore, #tpu.memory_space<semaphore_mem>>)
      %dma_wait3A = arith.constant 0 : i32
      %dma_wait3A_25 = arith.constant 0 : i32
      %dma_wait3A_26 = tpu.memref_slice %arg3[%dma_wait3A, %mul3A_2, %dma_wait3A_25] : memref<2x2528x128xi32, #tpu.memory_space<hbm>> -> memref<2x79x128xi32, #tpu.memory_space<hbm>>
      %dma_wait3A_27 = arith.constant 0 : i32
      %dma_wait3A_28 = arith.constant 0 : i32
      %dma_wait3A_29 = tpu.memref_slice %arg3[%dma_wait3A_27, %mul3A_2, %dma_wait3A_28] : memref<2x2528x128xi32, #tpu.memory_space<hbm>> -> memref<2x79x128xi32, #tpu.memory_space<hbm>>
      tpu.wait_dma2 semaphore(%run_scoped3A : memref<!tpu.dma_semaphore, #tpu.memory_space<semaphore_mem>>) src(%dma_wait3A_29 : memref<2x79x128xi32, #tpu.memory_space<hbm>>) dst(%arg6 : memref<2x79x128xi32, #tpu.memory_space<vmem>>)
      tpu.yield
    }) : () -> ()
    %mul3A_3 = arith.constant 625 : i32
    %mul3A_4 = arith.muli %arg1, %mul3A_3 : i32
    "tpu.region"() ({
      %run_scoped3A = tpu.sem_alloc : memref<!tpu.dma_semaphore, #tpu.memory_space<semaphore_mem>>
      %dma_start3A = arith.constant 0 : i32
      %dma_start3A_20 = tpu.memref_slice %arg4[%mul3A_4, %dma_start3A] : memref<10000x32xf32, #tpu.memory_space<hbm>> -> memref<625x32xf32, #tpu.memory_space<hbm>>
      %dma_start3A_21 = arith.constant 0 : i32
      %dma_start3A_22 = tpu.memref_slice %arg4[%mul3A_4, %dma_start3A_21] : memref<10000x32xf32, #tpu.memory_space<hbm>> -> memref<625x32xf32, #tpu.memory_space<hbm>>
      tpu.enqueue_dma source(%dma_start3A_22 : memref<625x32xf32, #tpu.memory_space<hbm>>) target(%arg7 : memref<625x32xf32, #tpu.memory_space<vmem>>) target_semaphore(%run_scoped3A : memref<!tpu.dma_semaphore, #tpu.memory_space<semaphore_mem>>)
      %dma_wait3A = arith.constant 0 : i32
      %dma_wait3A_23 = tpu.memref_slice %arg4[%mul3A_4, %dma_wait3A] : memref<10000x32xf32, #tpu.memory_space<hbm>> -> memref<625x32xf32, #tpu.memory_space<hbm>>
      %dma_wait3A_24 = arith.constant 0 : i32
      %dma_wait3A_25 = tpu.memref_slice %arg4[%mul3A_4, %dma_wait3A_24] : memref<10000x32xf32, #tpu.memory_space<hbm>> -> memref<625x32xf32, #tpu.memory_space<hbm>>
      tpu.wait_dma2 semaphore(%run_scoped3A : memref<!tpu.dma_semaphore, #tpu.memory_space<semaphore_mem>>) src(%dma_wait3A_25 : memref<625x32xf32, #tpu.memory_space<hbm>>) dst(%arg7 : memref<625x32xf32, #tpu.memory_space<vmem>>)
      tpu.yield
    }) : () -> ()
    %mul3A_5 = arith.constant 625 : i32
    %mul3A_6 = arith.muli %arg1, %mul3A_5 : i32
    "tpu.region"() ({
      %run_scoped3A = tpu.sem_alloc : memref<!tpu.dma_semaphore, #tpu.memory_space<semaphore_mem>>
      %dma_start3A = arith.constant 0 : i32
      %dma_start3A_20 = tpu.memref_slice %arg8[%mul3A_6, %dma_start3A] : memref<10008x32xf32, #tpu.memory_space<vmem_shared>> -> memref<625x32xf32, #tpu.memory_space<vmem_shared>>
      %dma_start3A_21 = arith.constant 0 : i32
      %dma_start3A_22 = tpu.memref_slice %arg8[%mul3A_6, %dma_start3A_21] : memref<10008x32xf32, #tpu.memory_space<vmem_shared>> -> memref<625x32xf32, #tpu.memory_space<vmem_shared>>
      tpu.enqueue_dma source(%arg7 : memref<625x32xf32, #tpu.memory_space<vmem>>) target(%dma_start3A_22 : memref<625x32xf32, #tpu.memory_space<vmem_shared>>) target_semaphore(%run_scoped3A : memref<!tpu.dma_semaphore, #tpu.memory_space<semaphore_mem>>)
      %dma_wait3A = arith.constant 0 : i32
      %dma_wait3A_23 = tpu.memref_slice %arg8[%mul3A_6, %dma_wait3A] : memref<10008x32xf32, #tpu.memory_space<vmem_shared>> -> memref<625x32xf32, #tpu.memory_space<vmem_shared>>
      %dma_wait3A_24 = arith.constant 0 : i32
      %dma_wait3A_25 = tpu.memref_slice %arg8[%mul3A_6, %dma_wait3A_24] : memref<10008x32xf32, #tpu.memory_space<vmem_shared>> -> memref<625x32xf32, #tpu.memory_space<vmem_shared>>
      tpu.wait_dma2 semaphore(%run_scoped3A : memref<!tpu.dma_semaphore, #tpu.memory_space<semaphore_mem>>) src(%arg7 : memref<625x32xf32, #tpu.memory_space<vmem>>) dst(%dma_wait3A_25 : memref<625x32xf32, #tpu.memory_space<vmem_shared>>)
      tpu.yield
    }) : () -> ()
    %barrier3A = arith.constant 0 : index
    tpu.barrier barrier_id(%barrier3A)
    %scan3A = arith.constant 0 : i32
    %scan3A_7 = arith.constant 0 : i32
    %scan3A_8 = arith.constant 79 : i32
    %scan3A_9 = arith.addi %scan3A_7, %scan3A_8 : i32
    %scan3A_10 = arith.constant 1 : i32
    scf.for %scan3A_20 = %scan3A_7 to %scan3A_9 step %scan3A_10  : i32 {
      %dma_start3A = arith.constant 0 : i32
      %dma_start3A_21 = arith.constant 0 : i32
      %dma_start3A_22 = tpu.memref_slice %arg6[%dma_start3A, %scan3A_20, %dma_start3A_21] : memref<2x79x128xi32, #tpu.memory_space<vmem>> -> memref<1x1x128xi32, #tpu.memory_space<vmem>>
      %dma_start3A_23 = tpu.memref_squeeze %dma_start3A_22 : memref<1x1x128xi32, #tpu.memory_space<vmem>> -> memref<128xi32, #tpu.memory_space<vmem>>
      %dma_start3A_24 = arith.constant 0 : i32
      %dma_start3A_25 = arith.constant 0 : i32
      %dma_start3A_26 = tpu.memref_slice %arg2[%dma_start3A_24, %dma_start3A_25] : memref<10000x32xf32, #tpu.memory_space<hbm>> -> memref<10000x32xf32, #tpu.memory_space<hbm>>
      tpu.enqueue_indirect_dma source(%dma_start3A_26 : memref<10000x32xf32, #tpu.memory_space<hbm>>) target(%arg9 : memref<128x32xf32, #tpu.memory_space<vmem>>) offsets(%dma_start3A_23 : memref<128xi32, #tpu.memory_space<vmem>>) semaphore(%arg10 : memref<!tpu.dma_semaphore, #tpu.memory_space<semaphore_mem>>)
      %dma_wait3A = arith.constant 0 : i32
      %dma_wait3A_27 = arith.constant 0 : i32
      %dma_wait3A_28 = tpu.memref_slice %arg6[%dma_wait3A, %scan3A_20, %dma_wait3A_27] : memref<2x79x128xi32, #tpu.memory_space<vmem>> -> memref<1x1x128xi32, #tpu.memory_space<vmem>>
      %dma_wait3A_29 = tpu.memref_squeeze %dma_wait3A_28 : memref<1x1x128xi32, #tpu.memory_space<vmem>> -> memref<128xi32, #tpu.memory_space<vmem>>
      %dma_wait3A_30 = arith.constant 0 : i32
      %dma_wait3A_31 = arith.constant 0 : i32
      %dma_wait3A_32 = tpu.memref_slice %arg2[%dma_wait3A_30, %dma_wait3A_31] : memref<10000x32xf32, #tpu.memory_space<hbm>> -> memref<10000x32xf32, #tpu.memory_space<hbm>>
      tpu.wait_indirect_dma semaphore(%arg10 : memref<!tpu.dma_semaphore, #tpu.memory_space<semaphore_mem>>) src(%dma_wait3A_32 : memref<10000x32xf32, #tpu.memory_space<hbm>>) dst(%arg9 : memref<128x32xf32, #tpu.memory_space<vmem>>)
      %run_scoped3A = arith.constant 1 : i32
      "tpu.region"() ({
        %run_scoped3A_33 = tpu.sem_alloc : memref<!tpu.dma_semaphore, #tpu.memory_space<semaphore_mem>>
        %dma_start3A_34 = arith.constant 0 : i32
        %dma_start3A_35 = tpu.memref_slice %arg6[%run_scoped3A, %scan3A_20, %dma_start3A_34] : memref<2x79x128xi32, #tpu.memory_space<vmem>> -> memref<1x1x128xi32, #tpu.memory_space<vmem>>
        %dma_start3A_36 = tpu.memref_squeeze %dma_start3A_35 : memref<1x1x128xi32, #tpu.memory_space<vmem>> -> memref<128xi32, #tpu.memory_space<vmem>>
        %dma_start3A_37 = arith.constant 0 : i32
        %dma_start3A_38 = arith.constant 0 : i32
        %dma_start3A_39 = tpu.memref_slice %arg8[%dma_start3A_37, %dma_start3A_38] : memref<10008x32xf32, #tpu.memory_space<vmem_shared>> -> memref<10008x32xf32, #tpu.memory_space<vmem_shared>>
        tpu.enqueue_indirect_dma source(%arg9 : memref<128x32xf32, #tpu.memory_space<vmem>>) target(%dma_start3A_39 : memref<10008x32xf32, #tpu.memory_space<vmem_shared>>) offsets(%dma_start3A_36 : memref<128xi32, #tpu.memory_space<vmem>>) semaphore(%run_scoped3A_33 : memref<!tpu.dma_semaphore, #tpu.memory_space<semaphore_mem>>) {add = true}
        %dma_wait3A_40 = arith.constant 0 : i32
        %dma_wait3A_41 = tpu.memref_slice %arg6[%run_scoped3A, %scan3A_20, %dma_wait3A_40] : memref<2x79x128xi32, #tpu.memory_space<vmem>> -> memref<1x1x128xi32, #tpu.memory_space<vmem>>
        %dma_wait3A_42 = tpu.memref_squeeze %dma_wait3A_41 : memref<1x1x128xi32, #tpu.memory_space<vmem>> -> memref<128xi32, #tpu.memory_space<vmem>>
        %dma_wait3A_43 = arith.constant 0 : i32
        %dma_wait3A_44 = arith.constant 0 : i32
        %dma_wait3A_45 = tpu.memref_slice %arg8[%dma_wait3A_43, %dma_wait3A_44] : memref<10008x32xf32, #tpu.memory_space<vmem_shared>> -> memref<10008x32xf32, #tpu.memory_space<vmem_shared>>
        tpu.wait_indirect_dma semaphore(%run_scoped3A_33 : memref<!tpu.dma_semaphore, #tpu.memory_space<semaphore_mem>>) src(%arg9 : memref<128x32xf32, #tpu.memory_space<vmem>>) dst(%dma_wait3A_45 : memref<10008x32xf32, #tpu.memory_space<vmem_shared>>)
        tpu.yield
      }) : () -> ()
    }
    %scan3A_11 = arith.constant 79 : i32
    %barrier3A_12 = arith.constant 0 : index
    tpu.barrier barrier_id(%barrier3A_12)
    %mul3A_13 = arith.constant 625 : i32
    %mul3A_14 = arith.muli %arg1, %mul3A_13 : i32
    "tpu.region"() ({
      %run_scoped3A = tpu.sem_alloc : memref<!tpu.dma_semaphore, #tpu.memory_space<semaphore_mem>>
      %dma_start3A = arith.constant 0 : i32
      %dma_start3A_20 = tpu.memref_slice %arg8[%mul3A_14, %dma_start3A] : memref<10008x32xf32, #tpu.memory_space<vmem_shared>> -> memref<625x32xf32, #tpu.memory_space<vmem_shared>>
      %dma_start3A_21 = arith.constant 0 : i32
      %dma_start3A_22 = tpu.memref_slice %arg8[%mul3A_14, %dma_start3A_21] : memref<10008x32xf32, #tpu.memory_space<vmem_shared>> -> memref<625x32xf32, #tpu.memory_space<vmem_shared>>
      tpu.enqueue_dma source(%dma_start3A_22 : memref<625x32xf32, #tpu.memory_space<vmem_shared>>) target(%arg7 : memref<625x32xf32, #tpu.memory_space<vmem>>) target_semaphore(%run_scoped3A : memref<!tpu.dma_semaphore, #tpu.memory_space<semaphore_mem>>)
      %dma_wait3A = arith.constant 0 : i32
      %dma_wait3A_23 = tpu.memref_slice %arg8[%mul3A_14, %dma_wait3A] : memref<10008x32xf32, #tpu.memory_space<vmem_shared>> -> memref<625x32xf32, #tpu.memory_space<vmem_shared>>
      %dma_wait3A_24 = arith.constant 0 : i32
      %dma_wait3A_25 = tpu.memref_slice %arg8[%mul3A_14, %dma_wait3A_24] : memref<10008x32xf32, #tpu.memory_space<vmem_shared>> -> memref<625x32xf32, #tpu.memory_space<vmem_shared>>
      tpu.wait_dma2 semaphore(%run_scoped3A : memref<!tpu.dma_semaphore, #tpu.memory_space<semaphore_mem>>) src(%dma_wait3A_25 : memref<625x32xf32, #tpu.memory_space<vmem_shared>>) dst(%arg7 : memref<625x32xf32, #tpu.memory_space<vmem>>)
      tpu.yield
    }) : () -> ()
    %mul3A_15 = arith.constant 10000 : i32
    %mul3A_16 = arith.muli %arg0, %mul3A_15 : i32
    %mul3A_17 = arith.constant 625 : i32
    %mul3A_18 = arith.muli %arg1, %mul3A_17 : i32
    %add3A_19 = arith.addi %mul3A_16, %mul3A_18 : i32
    "tpu.region"() ({
      %run_scoped3A = tpu.sem_alloc : memref<!tpu.dma_semaphore, #tpu.memory_space<semaphore_mem>>
      %dma_start3A = arith.constant 0 : i32
      %dma_start3A_20 = tpu.memref_slice %arg5[%add3A_19, %dma_start3A] : memref<20000x32xf32, #tpu.memory_space<hbm>> -> memref<625x32xf32, #tpu.memory_space<hbm>>
      %dma_start3A_21 = arith.constant 0 : i32
      %dma_start3A_22 = tpu.memref_slice %arg5[%add3A_19, %dma_start3A_21] : memref<20000x32xf32, #tpu.memory_space<hbm>> -> memref<625x32xf32, #tpu.memory_space<hbm>>
      tpu.enqueue_dma source(%arg7 : memref<625x32xf32, #tpu.memory_space<vmem>>) target(%dma_start3A_22 : memref<625x32xf32, #tpu.memory_space<hbm>>) target_semaphore(%run_scoped3A : memref<!tpu.dma_semaphore, #tpu.memory_space<semaphore_mem>>)
      %dma_wait3A = arith.constant 0 : i32
      %dma_wait3A_23 = tpu.memref_slice %arg5[%add3A_19, %dma_wait3A] : memref<20000x32xf32, #tpu.memory_space<hbm>> -> memref<625x32xf32, #tpu.memory_space<hbm>>
      %dma_wait3A_24 = arith.constant 0 : i32
      %dma_wait3A_25 = tpu.memref_slice %arg5[%add3A_19, %dma_wait3A_24] : memref<20000x32xf32, #tpu.memory_space<hbm>> -> memref<625x32xf32, #tpu.memory_space<hbm>>
      tpu.wait_dma2 semaphore(%run_scoped3A : memref<!tpu.dma_semaphore, #tpu.memory_space<semaphore_mem>>) src(%arg7 : memref<625x32xf32, #tpu.memory_space<vmem>>) dst(%dma_wait3A_25 : memref<625x32xf32, #tpu.memory_space<hbm>>)
      tpu.yield
    }) : () -> ()
    return
  }
}

#map = affine_map<(d0, d1) -> (0, 0)>
#map1 = affine_map<(d0, d1) -> (0)>
module attributes {stable_mosaic.version = 14 : i64} {
  func.func @deg_kernel(%arg0: i32, %arg1: i32, %arg2: memref<2528x128xi32, #tpu.memory_space<hbm>>, %arg3: memref<10000xf32, #tpu.memory_space<hbm>>, %arg4: memref<128xf32, #tpu.memory_space<hbm>>, %arg5: memref<20000xf32, #tpu.memory_space<hbm>>, %arg6: memref<79x128xi32, #tpu.memory_space<vmem>>, %arg7: memref<128xf32, #tpu.memory_space<vmem>>, %arg8: memref<1000xf32, #tpu.memory_space<vmem>>, %arg9: memref<10008xf32, #tpu.memory_space<vmem_shared>>) attributes {dimension_semantics = [#tpu.dimension_semantics<core_parallel>, #tpu.dimension_semantics<subcore_parallel>], iteration_bounds = array<i64: 2, 16>, scalar_prefetch = 0 : i64, scratch_operands = 4 : i64, tpu.core_type = #tpu.core_type<sc_vector_subcore>, window_params = [{transform_indices = #map}, {transform_indices = #map1}, {transform_indices = #map1}, {transform_indices = #map1}]} {
    %mul3A = arith.constant 2 : i32
    %mul3A_0 = arith.muli %arg1, %mul3A : i32
    %add3A = arith.addi %mul3A_0, %arg0 : i32
    %mul3A_1 = arith.constant 79 : i32
    %mul3A_2 = arith.muli %add3A, %mul3A_1 : i32
    "tpu.region"() ({
      %run_scoped3A = tpu.sem_alloc : memref<!tpu.dma_semaphore, #tpu.memory_space<semaphore_mem>>
      %dma_start3A = arith.constant 0 : i32
      %dma_start3A_16 = tpu.memref_slice %arg2[%mul3A_2, %dma_start3A] : memref<2528x128xi32, #tpu.memory_space<hbm>> -> memref<79x128xi32, #tpu.memory_space<hbm>>
      %dma_start3A_17 = arith.constant 0 : i32
      %dma_start3A_18 = tpu.memref_slice %arg2[%mul3A_2, %dma_start3A_17] : memref<2528x128xi32, #tpu.memory_space<hbm>> -> memref<79x128xi32, #tpu.memory_space<hbm>>
      tpu.enqueue_dma source(%dma_start3A_18 : memref<79x128xi32, #tpu.memory_space<hbm>>) target(%arg6 : memref<79x128xi32, #tpu.memory_space<vmem>>) target_semaphore(%run_scoped3A : memref<!tpu.dma_semaphore, #tpu.memory_space<semaphore_mem>>)
      %dma_wait3A = arith.constant 0 : i32
      %dma_wait3A_19 = tpu.memref_slice %arg2[%mul3A_2, %dma_wait3A] : memref<2528x128xi32, #tpu.memory_space<hbm>> -> memref<79x128xi32, #tpu.memory_space<hbm>>
      %dma_wait3A_20 = arith.constant 0 : i32
      %dma_wait3A_21 = tpu.memref_slice %arg2[%mul3A_2, %dma_wait3A_20] : memref<2528x128xi32, #tpu.memory_space<hbm>> -> memref<79x128xi32, #tpu.memory_space<hbm>>
      tpu.wait_dma2 semaphore(%run_scoped3A : memref<!tpu.dma_semaphore, #tpu.memory_space<semaphore_mem>>) src(%dma_wait3A_21 : memref<79x128xi32, #tpu.memory_space<hbm>>) dst(%arg6 : memref<79x128xi32, #tpu.memory_space<vmem>>)
      tpu.yield
    }) : () -> ()
    "tpu.region"() ({
      %run_scoped3A = tpu.sem_alloc : memref<!tpu.dma_semaphore, #tpu.memory_space<semaphore_mem>>
      tpu.enqueue_dma source(%arg4 : memref<128xf32, #tpu.memory_space<hbm>>) target(%arg7 : memref<128xf32, #tpu.memory_space<vmem>>) target_semaphore(%run_scoped3A : memref<!tpu.dma_semaphore, #tpu.memory_space<semaphore_mem>>)
      tpu.wait_dma2 semaphore(%run_scoped3A : memref<!tpu.dma_semaphore, #tpu.memory_space<semaphore_mem>>) src(%arg4 : memref<128xf32, #tpu.memory_space<hbm>>) dst(%arg7 : memref<128xf32, #tpu.memory_space<vmem>>)
      tpu.yield
    }) : () -> ()
    %lt3A = arith.constant 10 : i32
    %lt3A_3 = arith.cmpi slt, %arg1, %lt3A : i32
    %convert_element_type3A = arith.extui %lt3A_3 : i1 to i32
    %cond3A = arith.constant 0 : i32
    %cond3A_4 = arith.cmpi ne, %convert_element_type3A, %cond3A : i32
    scf.if %cond3A_4 {
      %mul3A_16 = arith.constant 1000 : i32
      %mul3A_17 = arith.muli %arg1, %mul3A_16 : i32
      "tpu.region"() ({
        %run_scoped3A = tpu.sem_alloc : memref<!tpu.dma_semaphore, #tpu.memory_space<semaphore_mem>>
        %dma_start3A = tpu.memref_slice %arg3[%mul3A_17] : memref<10000xf32, #tpu.memory_space<hbm>> -> memref<1000xf32, #tpu.memory_space<hbm>>
        %dma_start3A_20 = tpu.memref_slice %arg3[%mul3A_17] : memref<10000xf32, #tpu.memory_space<hbm>> -> memref<1000xf32, #tpu.memory_space<hbm>>
        tpu.enqueue_dma source(%dma_start3A_20 : memref<1000xf32, #tpu.memory_space<hbm>>) target(%arg8 : memref<1000xf32, #tpu.memory_space<vmem>>) target_semaphore(%run_scoped3A : memref<!tpu.dma_semaphore, #tpu.memory_space<semaphore_mem>>)
        %dma_wait3A = tpu.memref_slice %arg3[%mul3A_17] : memref<10000xf32, #tpu.memory_space<hbm>> -> memref<1000xf32, #tpu.memory_space<hbm>>
        %dma_wait3A_21 = tpu.memref_slice %arg3[%mul3A_17] : memref<10000xf32, #tpu.memory_space<hbm>> -> memref<1000xf32, #tpu.memory_space<hbm>>
        tpu.wait_dma2 semaphore(%run_scoped3A : memref<!tpu.dma_semaphore, #tpu.memory_space<semaphore_mem>>) src(%dma_wait3A_21 : memref<1000xf32, #tpu.memory_space<hbm>>) dst(%arg8 : memref<1000xf32, #tpu.memory_space<vmem>>)
        tpu.yield
      }) : () -> ()
      %mul3A_18 = arith.constant 1000 : i32
      %mul3A_19 = arith.muli %arg1, %mul3A_18 : i32
      "tpu.region"() ({
        %run_scoped3A = tpu.sem_alloc : memref<!tpu.dma_semaphore, #tpu.memory_space<semaphore_mem>>
        %dma_start3A = tpu.memref_slice %arg9[%mul3A_19] : memref<10008xf32, #tpu.memory_space<vmem_shared>> -> memref<1000xf32, #tpu.memory_space<vmem_shared>>
        %dma_start3A_20 = tpu.memref_slice %arg9[%mul3A_19] : memref<10008xf32, #tpu.memory_space<vmem_shared>> -> memref<1000xf32, #tpu.memory_space<vmem_shared>>
        tpu.enqueue_dma source(%arg8 : memref<1000xf32, #tpu.memory_space<vmem>>) target(%dma_start3A_20 : memref<1000xf32, #tpu.memory_space<vmem_shared>>) target_semaphore(%run_scoped3A : memref<!tpu.dma_semaphore, #tpu.memory_space<semaphore_mem>>)
        %dma_wait3A = tpu.memref_slice %arg9[%mul3A_19] : memref<10008xf32, #tpu.memory_space<vmem_shared>> -> memref<1000xf32, #tpu.memory_space<vmem_shared>>
        %dma_wait3A_21 = tpu.memref_slice %arg9[%mul3A_19] : memref<10008xf32, #tpu.memory_space<vmem_shared>> -> memref<1000xf32, #tpu.memory_space<vmem_shared>>
        tpu.wait_dma2 semaphore(%run_scoped3A : memref<!tpu.dma_semaphore, #tpu.memory_space<semaphore_mem>>) src(%arg8 : memref<1000xf32, #tpu.memory_space<vmem>>) dst(%dma_wait3A_21 : memref<1000xf32, #tpu.memory_space<vmem_shared>>)
        tpu.yield
      }) : () -> ()
    } else {
    }
    %barrier3A = arith.constant 0 : index
    tpu.barrier barrier_id(%barrier3A)
    %scan3A = arith.constant 0 : i32
    %scan3A_5 = arith.constant 0 : i32
    %scan3A_6 = arith.constant 79 : i32
    %scan3A_7 = arith.addi %scan3A_5, %scan3A_6 : i32
    %scan3A_8 = arith.constant 1 : i32
    scf.for %scan3A_16 = %scan3A_5 to %scan3A_7 step %scan3A_8  : i32 {
      "tpu.region"() ({
        %run_scoped3A = tpu.sem_alloc : memref<!tpu.dma_semaphore, #tpu.memory_space<semaphore_mem>>
        %dma_start3A = arith.constant 0 : i32
        %dma_start3A_17 = tpu.memref_slice %arg6[%scan3A_16, %dma_start3A] : memref<79x128xi32, #tpu.memory_space<vmem>> -> memref<1x128xi32, #tpu.memory_space<vmem>>
        %dma_start3A_18 = tpu.memref_squeeze %dma_start3A_17 : memref<1x128xi32, #tpu.memory_space<vmem>> -> memref<128xi32, #tpu.memory_space<vmem>>
        %dma_start3A_19 = arith.constant 0 : i32
        %dma_start3A_20 = tpu.memref_slice %arg9[%dma_start3A_19] : memref<10008xf32, #tpu.memory_space<vmem_shared>> -> memref<10008xf32, #tpu.memory_space<vmem_shared>>
        tpu.enqueue_indirect_dma source(%arg7 : memref<128xf32, #tpu.memory_space<vmem>>) target(%dma_start3A_20 : memref<10008xf32, #tpu.memory_space<vmem_shared>>) offsets(%dma_start3A_18 : memref<128xi32, #tpu.memory_space<vmem>>) semaphore(%run_scoped3A : memref<!tpu.dma_semaphore, #tpu.memory_space<semaphore_mem>>) {add = true}
        %dma_wait3A = arith.constant 0 : i32
        %dma_wait3A_21 = tpu.memref_slice %arg6[%scan3A_16, %dma_wait3A] : memref<79x128xi32, #tpu.memory_space<vmem>> -> memref<1x128xi32, #tpu.memory_space<vmem>>
        %dma_wait3A_22 = tpu.memref_squeeze %dma_wait3A_21 : memref<1x128xi32, #tpu.memory_space<vmem>> -> memref<128xi32, #tpu.memory_space<vmem>>
        %dma_wait3A_23 = arith.constant 0 : i32
        %dma_wait3A_24 = tpu.memref_slice %arg9[%dma_wait3A_23] : memref<10008xf32, #tpu.memory_space<vmem_shared>> -> memref<10008xf32, #tpu.memory_space<vmem_shared>>
        tpu.wait_indirect_dma semaphore(%run_scoped3A : memref<!tpu.dma_semaphore, #tpu.memory_space<semaphore_mem>>) src(%arg7 : memref<128xf32, #tpu.memory_space<vmem>>) dst(%dma_wait3A_24 : memref<10008xf32, #tpu.memory_space<vmem_shared>>)
        tpu.yield
      }) : () -> ()
    }
    %scan3A_9 = arith.constant 79 : i32
    %barrier3A_10 = arith.constant 0 : index
    tpu.barrier barrier_id(%barrier3A_10)
    %lt3A_11 = arith.constant 10 : i32
    %lt3A_12 = arith.cmpi slt, %arg1, %lt3A_11 : i32
    %convert_element_type3A_13 = arith.extui %lt3A_12 : i1 to i32
    %cond3A_14 = arith.constant 0 : i32
    %cond3A_15 = arith.cmpi ne, %convert_element_type3A_13, %cond3A_14 : i32
    scf.if %cond3A_15 {
      %mul3A_16 = arith.constant 1000 : i32
      %mul3A_17 = arith.muli %arg1, %mul3A_16 : i32
      "tpu.region"() ({
        %run_scoped3A = tpu.sem_alloc : memref<!tpu.dma_semaphore, #tpu.memory_space<semaphore_mem>>
        %dma_start3A = tpu.memref_slice %arg9[%mul3A_17] : memref<10008xf32, #tpu.memory_space<vmem_shared>> -> memref<1000xf32, #tpu.memory_space<vmem_shared>>
        %dma_start3A_23 = tpu.memref_slice %arg9[%mul3A_17] : memref<10008xf32, #tpu.memory_space<vmem_shared>> -> memref<1000xf32, #tpu.memory_space<vmem_shared>>
        tpu.enqueue_dma source(%dma_start3A_23 : memref<1000xf32, #tpu.memory_space<vmem_shared>>) target(%arg8 : memref<1000xf32, #tpu.memory_space<vmem>>) target_semaphore(%run_scoped3A : memref<!tpu.dma_semaphore, #tpu.memory_space<semaphore_mem>>)
        %dma_wait3A = tpu.memref_slice %arg9[%mul3A_17] : memref<10008xf32, #tpu.memory_space<vmem_shared>> -> memref<1000xf32, #tpu.memory_space<vmem_shared>>
        %dma_wait3A_24 = tpu.memref_slice %arg9[%mul3A_17] : memref<10008xf32, #tpu.memory_space<vmem_shared>> -> memref<1000xf32, #tpu.memory_space<vmem_shared>>
        tpu.wait_dma2 semaphore(%run_scoped3A : memref<!tpu.dma_semaphore, #tpu.memory_space<semaphore_mem>>) src(%dma_wait3A_24 : memref<1000xf32, #tpu.memory_space<vmem_shared>>) dst(%arg8 : memref<1000xf32, #tpu.memory_space<vmem>>)
        tpu.yield
      }) : () -> ()
      %mul3A_18 = arith.constant 10000 : i32
      %mul3A_19 = arith.muli %arg0, %mul3A_18 : i32
      %mul3A_20 = arith.constant 1000 : i32
      %mul3A_21 = arith.muli %arg1, %mul3A_20 : i32
      %add3A_22 = arith.addi %mul3A_19, %mul3A_21 : i32
      "tpu.region"() ({
        %run_scoped3A = tpu.sem_alloc : memref<!tpu.dma_semaphore, #tpu.memory_space<semaphore_mem>>
        %dma_start3A = tpu.memref_slice %arg5[%add3A_22] : memref<20000xf32, #tpu.memory_space<hbm>> -> memref<1000xf32, #tpu.memory_space<hbm>>
        %dma_start3A_23 = tpu.memref_slice %arg5[%add3A_22] : memref<20000xf32, #tpu.memory_space<hbm>> -> memref<1000xf32, #tpu.memory_space<hbm>>
        tpu.enqueue_dma source(%arg8 : memref<1000xf32, #tpu.memory_space<vmem>>) target(%dma_start3A_23 : memref<1000xf32, #tpu.memory_space<hbm>>) target_semaphore(%run_scoped3A : memref<!tpu.dma_semaphore, #tpu.memory_space<semaphore_mem>>)
        %dma_wait3A = tpu.memref_slice %arg5[%add3A_22] : memref<20000xf32, #tpu.memory_space<hbm>> -> memref<1000xf32, #tpu.memory_space<hbm>>
        %dma_wait3A_24 = tpu.memref_slice %arg5[%add3A_22] : memref<20000xf32, #tpu.memory_space<hbm>> -> memref<1000xf32, #tpu.memory_space<hbm>>
        tpu.wait_dma2 semaphore(%run_scoped3A : memref<!tpu.dma_semaphore, #tpu.memory_space<semaphore_mem>>) src(%arg8 : memref<1000xf32, #tpu.memory_space<vmem>>) dst(%dma_wait3A_24 : memref<1000xf32, #tpu.memory_space<hbm>>)
        tpu.yield
      }) : () -> ()
    } else {
    }
    return
  }
}

module attributes {stable_mosaic.version = 14 : i64} {
  func.func @body(%arg0: i32, %arg1: memref<1000x128xf32, #tpu.memory_space<vmem>>, %arg2: memref<128x64xf32, #tpu.memory_space<vmem>>, %arg3: memref<1000x2xf32, #tpu.memory_space<vmem>>, %arg4: memref<1000x32xf32, #tpu.memory_space<vmem>>, %arg5: memref<1000x32xf32, #tpu.memory_space<vmem>>) attributes {dimension_semantics = [#tpu.dimension_semantics<arbitrary>], iteration_bounds = array<i64: 10>, scalar_prefetch = 0 : i64, scratch_operands = 0 : i64, tpu.core_type = #tpu.core_type<tc>, window_params = [{transform_indices = @transform_0, window_bounds = array<i64: 1000, 128>}, {pipeline_mode = #tpu.pipeline_mode<synchronous>, transform_indices = @transform_1, window_bounds = array<i64: 128, 64>}, {transform_indices = @transform_2, window_bounds = array<i64: 1000, 2>}, {transform_indices = @transform_3, window_bounds = array<i64: 1000, 32>}, {transform_indices = @transform_4, window_bounds = array<i64: 1000, 32>}]} {
    %get3A = arith.constant 0 : index
    %get3A_0 = arith.constant 0 : index
    %get3A_1 = vector.load %arg1[%get3A, %get3A_0] : memref<1000x128xf32, #tpu.memory_space<vmem>>, vector<1000x128xf32>
    %get3A_2 = arith.constant 0 : index
    %get3A_3 = arith.constant 0 : index
    %get3A_4 = vector.load %arg2[%get3A_2, %get3A_3] : memref<128x64xf32, #tpu.memory_space<vmem>>, vector<128x64xf32>
    %dot_general3A = arith.constant dense<0.000000e+00> : vector<1000x64xf32>
    %dot_general3A_5 = tpu.matmul %get3A_1, %get3A_4, %dot_general3A {dimension_numbers = #tpu.dot_dimension_numbers<[1], [0], [0], [1], [0, 0, 1, 1], [], []>, transpose_lhs_hint = false} : vector<1000x128xf32>, vector<128x64xf32>, vector<1000x64xf32> -> vector<1000x64xf32>
    %get3A_6 = arith.constant 0 : index
    %get3A_7 = arith.constant 0 : index
    %get3A_8 = vector.load %arg3[%get3A_6, %get3A_7] : memref<1000x2xf32, #tpu.memory_space<vmem>>, vector<1000x2xf32>
    %slice3A = vector.extract_strided_slice %get3A_8 {offsets = [0, 0], sizes = [1000, 1], strides = [1, 1]} : vector<1000x2xf32> to vector<1000x1xf32>
    %slice3A_9 = vector.extract_strided_slice %get3A_8 {offsets = [0, 1], sizes = [1000, 1], strides = [1, 1]} : vector<1000x2xf32> to vector<1000x1xf32>
    %add3A = arith.addf %slice3A, %slice3A_9 : vector<1000x1xf32>
    %gt3A = arith.constant 0.000000e+00 : f32
    %gt3A_10 = vector.broadcast %gt3A : f32 to vector<1000x1xf32>
    %gt3A_11 = arith.cmpf ogt, %add3A, %gt3A_10 : vector<1000x1xf32>
    %jit3A = arith.constant 1.000000e+00 : f32
    %broadcast_in_dim3A = vector.broadcast %jit3A : f32 to vector<1000x1xf32>
    %select_n3A = arith.select %gt3A_11, %add3A, %broadcast_in_dim3A : vector<1000x1xi1>, vector<1000x1xf32>
    %gt3A_12 = arith.constant 0.000000e+00 : f32
    %gt3A_13 = vector.broadcast %gt3A_12 : f32 to vector<1000x1xf32>
    %gt3A_14 = arith.cmpf ogt, %add3A, %gt3A_13 : vector<1000x1xf32>
    %rsqrt3A = math.rsqrt %select_n3A : vector<1000x1xf32>
    %jit3A_15 = arith.constant 0.000000e+00 : f32
    %broadcast_in_dim3A_16 = vector.broadcast %jit3A_15 : f32 to vector<1000x1xf32>
    %select_n3A_17 = arith.select %gt3A_14, %rsqrt3A, %broadcast_in_dim3A_16 : vector<1000x1xi1>, vector<1000x1xf32>
    %slice3A_18 = vector.extract_strided_slice %dot_general3A_5 {offsets = [0, 0], sizes = [1000, 32], strides = [1, 1]} : vector<1000x64xf32> to vector<1000x32xf32>
    %swap3A = arith.constant 0 : index
    %swap3A_19 = arith.constant 0 : index
    %swap3A_20 = vector.load %arg4[%swap3A, %swap3A_19] : memref<1000x32xf32, #tpu.memory_space<vmem>>, vector<1000x32xf32>
    tpu.vector_store %arg4[%swap3A, %swap3A_19], %slice3A_18 {strides = array<i32>} : memref<1000x32xf32, #tpu.memory_space<vmem>>, vector<1000x32xf32>,
    %slice3A_21 = vector.extract_strided_slice %dot_general3A_5 {offsets = [0, 32], sizes = [1000, 32], strides = [1, 1]} : vector<1000x64xf32> to vector<1000x32xf32>
    %mul3A = vector.broadcast %select_n3A_17 : vector<1000x1xf32> to vector<1000x32xf32>
    %mul3A_22 = arith.mulf %slice3A_21, %mul3A : vector<1000x32xf32>
    %swap3A_23 = arith.constant 0 : index
    %swap3A_24 = arith.constant 0 : index
    %swap3A_25 = vector.load %arg5[%swap3A_23, %swap3A_24] : memref<1000x32xf32, #tpu.memory_space<vmem>>, vector<1000x32xf32>
    tpu.vector_store %arg5[%swap3A_23, %swap3A_24], %mul3A_22 {strides = array<i32>} : memref<1000x32xf32, #tpu.memory_space<vmem>>, vector<1000x32xf32>,
    return
  }
  func.func @transform_0(%arg0: i32) -> (i32, i32) {
    %c0_i32 = arith.constant 0 : i32
    %c0_i32_0 = arith.constant 0 : i32
    return %arg0, %c0_i32 : i32, i32
  }
  func.func @transform_1(%arg0: i32) -> (i32, i32) {
    %c0_i32 = arith.constant 0 : i32
    %c0_i32_0 = arith.constant 0 : i32
    %c0_i32_1 = arith.constant 0 : i32
    return %c0_i32, %c0_i32_0 : i32, i32
  }
  func.func @transform_2(%arg0: i32) -> (i32, i32) {
    %c0_i32 = arith.constant 0 : i32
    %c0_i32_0 = arith.constant 0 : i32
    return %arg0, %c0_i32 : i32, i32
  }
  func.func @transform_3(%arg0: i32) -> (i32, i32) {
    %c0_i32 = arith.constant 0 : i32
    %c0_i32_0 = arith.constant 0 : i32
    return %arg0, %c0_i32 : i32, i32
  }
  func.func @transform_4(%arg0: i32) -> (i32, i32) {
    %c0_i32 = arith.constant 0 : i32
    %c0_i32_0 = arith.constant 0 : i32
    return %arg0, %c0_i32 : i32, i32
  }
}

module attributes {stable_mosaic.version = 14 : i64} {
  func.func @body(%arg0: i32, %arg1: memref<1000x32xf32, #tpu.memory_space<vmem>>, %arg2: memref<2x1000x32xf32, #tpu.memory_space<vmem>>, %arg3: memref<1000x2xf32, #tpu.memory_space<vmem>>, %arg4: memref<1x32xf32, #tpu.memory_space<vmem>>, %arg5: memref<32x80xf32, #tpu.memory_space<vmem>>, %arg6: memref<1000x40xf32, #tpu.memory_space<vmem>>, %arg7: memref<1000x40xf32, #tpu.memory_space<vmem>>) attributes {dimension_semantics = [#tpu.dimension_semantics<arbitrary>], iteration_bounds = array<i64: 10>, scalar_prefetch = 0 : i64, scratch_operands = 0 : i64, tpu.core_type = #tpu.core_type<tc>, window_params = [{transform_indices = @transform_0, window_bounds = array<i64: 1000, 32>}, {transform_indices = @transform_1, window_bounds = array<i64: 2, 1000, 32>}, {transform_indices = @transform_2, window_bounds = array<i64: 1000, 2>}, {pipeline_mode = #tpu.pipeline_mode<synchronous>, transform_indices = @transform_3, window_bounds = array<i64: 1, 32>}, {pipeline_mode = #tpu.pipeline_mode<synchronous>, transform_indices = @transform_4, window_bounds = array<i64: 32, 80>}, {transform_indices = @transform_5, window_bounds = array<i64: 1000, 40>}, {transform_indices = @transform_6, window_bounds = array<i64: 1000, 40>}]} {
    %get3A = arith.constant 0 : index
    %get3A_0 = arith.constant 0 : index
    %get3A_1 = vector.load %arg3[%get3A, %get3A_0] : memref<1000x2xf32, #tpu.memory_space<vmem>>, vector<1000x2xf32>
    %slice3A = vector.extract_strided_slice %get3A_1 {offsets = [0, 0], sizes = [1000, 1], strides = [1, 1]} : vector<1000x2xf32> to vector<1000x1xf32>
    %slice3A_2 = vector.extract_strided_slice %get3A_1 {offsets = [0, 1], sizes = [1000, 1], strides = [1, 1]} : vector<1000x2xf32> to vector<1000x1xf32>
    %add3A = arith.addf %slice3A, %slice3A_2 : vector<1000x1xf32>
    %gt3A = arith.constant 0.000000e+00 : f32
    %gt3A_3 = vector.broadcast %gt3A : f32 to vector<1000x1xf32>
    %gt3A_4 = arith.cmpf ogt, %add3A, %gt3A_3 : vector<1000x1xf32>
    %jit3A = arith.constant 1.000000e+00 : f32
    %broadcast_in_dim3A = vector.broadcast %jit3A : f32 to vector<1000x1xf32>
    %select_n3A = arith.select %gt3A_4, %add3A, %broadcast_in_dim3A : vector<1000x1xi1>, vector<1000x1xf32>
    %gt3A_5 = arith.constant 0.000000e+00 : f32
    %gt3A_6 = vector.broadcast %gt3A_5 : f32 to vector<1000x1xf32>
    %gt3A_7 = arith.cmpf ogt, %add3A, %gt3A_6 : vector<1000x1xf32>
    %rsqrt3A = math.rsqrt %select_n3A : vector<1000x1xf32>
    %jit3A_8 = arith.constant 0.000000e+00 : f32
    %broadcast_in_dim3A_9 = vector.broadcast %jit3A_8 : f32 to vector<1000x1xf32>
    %select_n3A_10 = arith.select %gt3A_7, %rsqrt3A, %broadcast_in_dim3A_9 : vector<1000x1xi1>, vector<1000x1xf32>
    %get3A_11 = arith.constant 0 : index
    %get3A_12 = arith.constant 0 : index
    %get3A_13 = arith.constant 0 : index
    %get3A_14 = vector.load %arg2[%get3A_11, %get3A_12, %get3A_13] : memref<2x1000x32xf32, #tpu.memory_space<vmem>>, vector<1x1000x32xf32>
    %get3A_15 = vector.shape_cast %get3A_14 : vector<1x1000x32xf32> to vector<1000x32xf32>
    %get3A_16 = arith.constant 1 : index
    %get3A_17 = arith.constant 0 : index
    %get3A_18 = arith.constant 0 : index
    %get3A_19 = vector.load %arg2[%get3A_16, %get3A_17, %get3A_18] : memref<2x1000x32xf32, #tpu.memory_space<vmem>>, vector<1x1000x32xf32>
    %get3A_20 = vector.shape_cast %get3A_19 : vector<1x1000x32xf32> to vector<1000x32xf32>
    %add3A_21 = arith.addf %get3A_15, %get3A_20 : vector<1000x32xf32>
    %get3A_22 = arith.constant 0 : index
    %get3A_23 = arith.constant 0 : index
    %get3A_24 = vector.load %arg1[%get3A_22, %get3A_23] : memref<1000x32xf32, #tpu.memory_space<vmem>>, vector<1000x32xf32>
    %mul3A = vector.broadcast %select_n3A_10 : vector<1000x1xf32> to vector<1000x32xf32>
    %mul3A_25 = arith.mulf %mul3A, %add3A_21 : vector<1000x32xf32>
    %sub3A = arith.subf %get3A_24, %mul3A_25 : vector<1000x32xf32>
    %get3A_26 = arith.constant 0 : index
    %get3A_27 = arith.constant 0 : index
    %get3A_28 = vector.load %arg4[%get3A_26, %get3A_27] : memref<1x32xf32, #tpu.memory_space<vmem>>, vector<1x32xf32>
    %add3A_29 = vector.broadcast %get3A_28 : vector<1x32xf32> to vector<1000x32xf32>
    %add3A_30 = arith.addf %sub3A, %add3A_29 : vector<1000x32xf32>
    %max3A = arith.constant 0.000000e+00 : f32
    %max3A_31 = vector.broadcast %max3A : f32 to vector<1000x32xf32>
    %max3A_32 = arith.maximumf %add3A_30, %max3A_31 : vector<1000x32xf32>
    %get3A_33 = arith.constant 0 : index
    %get3A_34 = arith.constant 0 : index
    %get3A_35 = vector.load %arg5[%get3A_33, %get3A_34] : memref<32x80xf32, #tpu.memory_space<vmem>>, vector<32x80xf32>
    %dot_general3A = arith.constant dense<0.000000e+00> : vector<1000x80xf32>
    %dot_general3A_36 = tpu.matmul %max3A_32, %get3A_35, %dot_general3A {dimension_numbers = #tpu.dot_dimension_numbers<[1], [0], [0], [1], [0, 0, 1, 1], [], []>, transpose_lhs_hint = false} : vector<1000x32xf32>, vector<32x80xf32>, vector<1000x80xf32> -> vector<1000x80xf32>
    %slice3A_37 = vector.extract_strided_slice %dot_general3A_36 {offsets = [0, 0], sizes = [1000, 40], strides = [1, 1]} : vector<1000x80xf32> to vector<1000x40xf32>
    %swap3A = arith.constant 0 : index
    %swap3A_38 = arith.constant 0 : index
    %swap3A_39 = vector.load %arg6[%swap3A, %swap3A_38] : memref<1000x40xf32, #tpu.memory_space<vmem>>, vector<1000x40xf32>
    tpu.vector_store %arg6[%swap3A, %swap3A_38], %slice3A_37 {strides = array<i32>} : memref<1000x40xf32, #tpu.memory_space<vmem>>, vector<1000x40xf32>,
    %slice3A_40 = vector.extract_strided_slice %dot_general3A_36 {offsets = [0, 40], sizes = [1000, 40], strides = [1, 1]} : vector<1000x80xf32> to vector<1000x40xf32>
    %mul3A_41 = vector.broadcast %select_n3A_10 : vector<1000x1xf32> to vector<1000x40xf32>
    %mul3A_42 = arith.mulf %slice3A_40, %mul3A_41 : vector<1000x40xf32>
    %swap3A_43 = arith.constant 0 : index
    %swap3A_44 = arith.constant 0 : index
    %swap3A_45 = vector.load %arg7[%swap3A_43, %swap3A_44] : memref<1000x40xf32, #tpu.memory_space<vmem>>, vector<1000x40xf32>
    tpu.vector_store %arg7[%swap3A_43, %swap3A_44], %mul3A_42 {strides = array<i32>} : memref<1000x40xf32, #tpu.memory_space<vmem>>, vector<1000x40xf32>,
    return
  }
  func.func @transform_0(%arg0: i32) -> (i32, i32) {
    %c0_i32 = arith.constant 0 : i32
    %c0_i32_0 = arith.constant 0 : i32
    return %arg0, %c0_i32 : i32, i32
  }
  func.func @transform_1(%arg0: i32) -> (i32, i32, i32) {
    %c0_i32 = arith.constant 0 : i32
    %c0_i32_0 = arith.constant 0 : i32
    %c0_i32_1 = arith.constant 0 : i32
    return %c0_i32, %arg0, %c0_i32_0 : i32, i32, i32
  }
  func.func @transform_2(%arg0: i32) -> (i32, i32) {
    %c0_i32 = arith.constant 0 : i32
    %c0_i32_0 = arith.constant 0 : i32
    return %arg0, %c0_i32 : i32, i32
  }
  func.func @transform_3(%arg0: i32) -> (i32, i32) {
    %c0_i32 = arith.constant 0 : i32
    %c0_i32_0 = arith.constant 0 : i32
    %c0_i32_1 = arith.constant 0 : i32
    return %c0_i32, %c0_i32_0 : i32, i32
  }
  func.func @transform_4(%arg0: i32) -> (i32, i32) {
    %c0_i32 = arith.constant 0 : i32
    %c0_i32_0 = arith.constant 0 : i32
    %c0_i32_1 = arith.constant 0 : i32
    return %c0_i32, %c0_i32_0 : i32, i32
  }
  func.func @transform_5(%arg0: i32) -> (i32, i32) {
    %c0_i32 = arith.constant 0 : i32
    %c0_i32_0 = arith.constant 0 : i32
    return %arg0, %c0_i32 : i32, i32
  }
  func.func @transform_6(%arg0: i32) -> (i32, i32) {
    %c0_i32 = arith.constant 0 : i32
    %c0_i32_0 = arith.constant 0 : i32
    return %arg0, %c0_i32 : i32, i32
  }
}

module attributes {stable_mosaic.version = 14 : i64} {
  func.func @body(%arg0: i32, %arg1: memref<1000x40xf32, #tpu.memory_space<vmem>>, %arg2: memref<2x1000x40xf32, #tpu.memory_space<vmem>>, %arg3: memref<1000x2xf32, #tpu.memory_space<vmem>>, %arg4: memref<1x40xf32, #tpu.memory_space<vmem>>, %arg5: memref<1000x40xf32, #tpu.memory_space<vmem>>) attributes {dimension_semantics = [#tpu.dimension_semantics<arbitrary>], iteration_bounds = array<i64: 10>, scalar_prefetch = 0 : i64, scratch_operands = 0 : i64, tpu.core_type = #tpu.core_type<tc>, window_params = [{transform_indices = @transform_0, window_bounds = array<i64: 1000, 40>}, {transform_indices = @transform_1, window_bounds = array<i64: 2, 1000, 40>}, {transform_indices = @transform_2, window_bounds = array<i64: 1000, 2>}, {pipeline_mode = #tpu.pipeline_mode<synchronous>, transform_indices = @transform_3, window_bounds = array<i64: 1, 40>}, {transform_indices = @transform_4, window_bounds = array<i64: 1000, 40>}]} {
    %get3A = arith.constant 0 : index
    %get3A_0 = arith.constant 0 : index
    %get3A_1 = vector.load %arg3[%get3A, %get3A_0] : memref<1000x2xf32, #tpu.memory_space<vmem>>, vector<1000x2xf32>
    %slice3A = vector.extract_strided_slice %get3A_1 {offsets = [0, 0], sizes = [1000, 1], strides = [1, 1]} : vector<1000x2xf32> to vector<1000x1xf32>
    %slice3A_2 = vector.extract_strided_slice %get3A_1 {offsets = [0, 1], sizes = [1000, 1], strides = [1, 1]} : vector<1000x2xf32> to vector<1000x1xf32>
    %add3A = arith.addf %slice3A, %slice3A_2 : vector<1000x1xf32>
    %gt3A = arith.constant 0.000000e+00 : f32
    %gt3A_3 = vector.broadcast %gt3A : f32 to vector<1000x1xf32>
    %gt3A_4 = arith.cmpf ogt, %add3A, %gt3A_3 : vector<1000x1xf32>
    %jit3A = arith.constant 1.000000e+00 : f32
    %broadcast_in_dim3A = vector.broadcast %jit3A : f32 to vector<1000x1xf32>
    %select_n3A = arith.select %gt3A_4, %add3A, %broadcast_in_dim3A : vector<1000x1xi1>, vector<1000x1xf32>
    %gt3A_5 = arith.constant 0.000000e+00 : f32
    %gt3A_6 = vector.broadcast %gt3A_5 : f32 to vector<1000x1xf32>
    %gt3A_7 = arith.cmpf ogt, %add3A, %gt3A_6 : vector<1000x1xf32>
    %rsqrt3A = math.rsqrt %select_n3A : vector<1000x1xf32>
    %jit3A_8 = arith.constant 0.000000e+00 : f32
    %broadcast_in_dim3A_9 = vector.broadcast %jit3A_8 : f32 to vector<1000x1xf32>
    %select_n3A_10 = arith.select %gt3A_7, %rsqrt3A, %broadcast_in_dim3A_9 : vector<1000x1xi1>, vector<1000x1xf32>
    %get3A_11 = arith.constant 0 : index
    %get3A_12 = arith.constant 0 : index
    %get3A_13 = arith.constant 0 : index
    %get3A_14 = vector.load %arg2[%get3A_11, %get3A_12, %get3A_13] : memref<2x1000x40xf32, #tpu.memory_space<vmem>>, vector<1x1000x40xf32>
    %get3A_15 = vector.shape_cast %get3A_14 : vector<1x1000x40xf32> to vector<1000x40xf32>
    %get3A_16 = arith.constant 1 : index
    %get3A_17 = arith.constant 0 : index
    %get3A_18 = arith.constant 0 : index
    %get3A_19 = vector.load %arg2[%get3A_16, %get3A_17, %get3A_18] : memref<2x1000x40xf32, #tpu.memory_space<vmem>>, vector<1x1000x40xf32>
    %get3A_20 = vector.shape_cast %get3A_19 : vector<1x1000x40xf32> to vector<1000x40xf32>
    %add3A_21 = arith.addf %get3A_15, %get3A_20 : vector<1000x40xf32>
    %get3A_22 = arith.constant 0 : index
    %get3A_23 = arith.constant 0 : index
    %get3A_24 = vector.load %arg1[%get3A_22, %get3A_23] : memref<1000x40xf32, #tpu.memory_space<vmem>>, vector<1000x40xf32>
    %mul3A = vector.broadcast %select_n3A_10 : vector<1000x1xf32> to vector<1000x40xf32>
    %mul3A_25 = arith.mulf %mul3A, %add3A_21 : vector<1000x40xf32>
    %sub3A = arith.subf %get3A_24, %mul3A_25 : vector<1000x40xf32>
    %get3A_26 = arith.constant 0 : index
    %get3A_27 = arith.constant 0 : index
    %get3A_28 = vector.load %arg4[%get3A_26, %get3A_27] : memref<1x40xf32, #tpu.memory_space<vmem>>, vector<1x40xf32>
    %add3A_29 = vector.broadcast %get3A_28 : vector<1x40xf32> to vector<1000x40xf32>
    %add3A_30 = arith.addf %sub3A, %add3A_29 : vector<1000x40xf32>
    %reduce_max3A = arith.constant dense<0xFF800000> : vector<1000xf32>
    %reduce_max3A_31 = vector.multi_reduction <maximumf>, %add3A_30, %reduce_max3A [1] : vector<1000x40xf32> to vector<1000xf32>
    %broadcast_in_dim3A_32 = vector.shape_cast %reduce_max3A_31 : vector<1000xf32> to vector<1000x1xf32>
    %sub3A_33 = vector.broadcast %broadcast_in_dim3A_32 : vector<1000x1xf32> to vector<1000x40xf32>
    %sub3A_34 = arith.subf %add3A_30, %sub3A_33 : vector<1000x40xf32>
    %exp3A = math.exp %sub3A_34 : vector<1000x40xf32>
    %reduce_sum3A = arith.constant dense<0.000000e+00> : vector<1000xf32>
    %reduce_sum3A_35 = vector.multi_reduction <add>, %exp3A, %reduce_sum3A [1] : vector<1000x40xf32> to vector<1000xf32>
    %broadcast_in_dim3A_36 = vector.shape_cast %reduce_sum3A_35 : vector<1000xf32> to vector<1000x1xf32>
    %log3A = math.log %broadcast_in_dim3A_36 : vector<1000x1xf32>
    %sub3A_37 = vector.broadcast %log3A : vector<1000x1xf32> to vector<1000x40xf32>
    %sub3A_38 = arith.subf %sub3A_34, %sub3A_37 : vector<1000x40xf32>
    %swap3A = arith.constant 0 : index
    %swap3A_39 = arith.constant 0 : index
    %swap3A_40 = vector.load %arg5[%swap3A, %swap3A_39] : memref<1000x40xf32, #tpu.memory_space<vmem>>, vector<1000x40xf32>
    tpu.vector_store %arg5[%swap3A, %swap3A_39], %sub3A_38 {strides = array<i32>} : memref<1000x40xf32, #tpu.memory_space<vmem>>, vector<1000x40xf32>,
    return
  }
  func.func @transform_0(%arg0: i32) -> (i32, i32) {
    %c0_i32 = arith.constant 0 : i32
    %c0_i32_0 = arith.constant 0 : i32
    return %arg0, %c0_i32 : i32, i32
  }
  func.func @transform_1(%arg0: i32) -> (i32, i32, i32) {
    %c0_i32 = arith.constant 0 : i32
    %c0_i32_0 = arith.constant 0 : i32
    %c0_i32_1 = arith.constant 0 : i32
    return %c0_i32, %arg0, %c0_i32_0 : i32, i32, i32
  }
  func.func @transform_2(%arg0: i32) -> (i32, i32) {
    %c0_i32 = arith.constant 0 : i32
    %c0_i32_0 = arith.constant 0 : i32
    return %arg0, %c0_i32 : i32, i32
  }
  func.func @transform_3(%arg0: i32) -> (i32, i32) {
    %c0_i32 = arith.constant 0 : i32
    %c0_i32_0 = arith.constant 0 : i32
    %c0_i32_1 = arith.constant 0 : i32
    return %c0_i32, %c0_i32_0 : i32, i32
  }
  func.func @transform_4(%arg0: i32) -> (i32, i32) {
    %c0_i32 = arith.constant 0 : i32
    %c0_i32_0 = arith.constant 0 : i32
    return %arg0, %c0_i32 : i32, i32
  }
}

</mosaic_0001>

<sc_bundles>
// kernel: kernel.11.cloned.1.call-start
scs
__scs_entry_jumppad:
0x0: {  	(pc) =	sbr.rel $0x88, $3  }
0x1: {  	(tag) =	ssettag $0x0;
	lr =	simm.s32 $0x1  }
0x2: {  	[smem:$0x3F99] =	sst lr;
	_ =	strace $0xD0000000  }
0x3: {  	_ = 	snop  }
0x4: {  	_ = 	snop  }
0x5: {  	_ = 	snop  }
0x6: {  	_ = 	snop  }
0x7: {  	_ = 	snop  }
__scs_overlays_trampoline_lowered:
0x8: {  	[smem:$0x3FA8] =	sst s0  }
0x9: {  	[smem:$0x3FA9] =	sst s1  }
0xa: {  	[smem:$0x3FAA] =	sst s2  }
0xb: {  	[smem:$0x3FAB] =	sst s3  }
0xc: {  	[smem:$0x3FAC] =	sst s4  }
0xd: {  	[smem:$0x3FAD] =	sst s5  }
0xe: {  	[smem:$0x3FAE] =	sst s6  }
0xf: {  	[smem:$0x3FAF] =	sst s7  }
0x10: {  	[smem:$0x3FB0] =	sst s8  }
0x11: {  	[smem:$0x3FB1] =	sst s9;
	s0 =	simm.s32 @!p0 $0x0  }
0x12: {  	s1 =	sld [smem:$0x3F97];
	s0 =	simm.s32 @p0 $0x1  }
0x13: {  	[smem:$0x3FB2] =	sst s0;
	s0 =	simm.s32 @!p1 $0x0  }
0x14: {  	s2 =	sld [smem:$0x3F96];
	s0 =	simm.s32 @p1 $0x1  }
0x15: {  	[smem:$0x3FB3] =	sst s0;
	s0 =	simm.s32 @!p2 $0x0  }
0x16: {  	s3 =	sld [smem:$0x3FDB];
	s0 =	simm.s32 @p2 $0x1  }
0x17: {  	s4 =	simm.s32 $0x1BF5;
	[smem:$0x3FB5] =	sst s0  }
0x18: {  	s0 =	sld [smem:$0x3F98];
	_ =	swait.ge [sflag:s4], $0x0  }
0x19: {  	s7 =	sld [smem:$0x3F99]  }
0x1a: {  	s8 =	sadd.s32 $0xFFFFE003, lr  }
0x1b: {  	s9 =	sadd.s32 $0xFFFFFEF7, lr;
	s5 =	simm.s32 $0xFFFFFFFF;
	p2 =	slt.u32 s8, $0xFFFFF086  }
0x1c: {  	p1 =	slt.u32 s9, $0xF7A;
	s5 =	simm.s32 @!p2 $0x0  }
0x1d: {  	s5 =	simm.s32 @p1 $0x1;
	p0 =	seq.s32 s7, s2  }
0x1e: {  	s7 =	smul.u32 @!p0 $0xF7A, s2;
	p2 =	seq.s32 @!p0 s5, $0x0  }
0x1f: {  	s9 =	smul.u32 $0xF7A, s1;
	s8 =	simm.s32 @!p0 $0x1BF5;
	p2 =	por !p2, p0  }
0x20: {  	[sflag:s8] =	ssyncset.s32 @!p0 $0xFFFFF086;
	s6 =	sadd.s32 @!p0 s3, s7;
	s7 =	simm.s32 @!p0 $0x108  }
0x21: {  	s3 =	sadd.s32 s3, s9;
	s6 =	sadd.s32 @!p0 $0x88, s6;
	s7 =	simm.s32 @p2 $0x1082  }
0x22: {  	[simem:s7], [sflag:s8] =	dma.local @!p0 [hbm:s6], $0xF7A  }
0x23: {  	s9 =	sor.u32 $0xD0000000, s2;
	s6 =	simm.s32 $0x108;
	_ =	swait.ge @!p0 [sflag:s8], $0x0  }
0x24: {  	s3 =	sadd.s32 $0x88, s3;
	s6 =	simm.s32 @!p1 $0x1082;
	[sflag:s4] =	ssyncset.s32 $0xFFFFF086  }
0x25: {  	[simem:s6], [sflag:s4] =	dma.local [hbm:s3], $0xF7A  }
0x26: {  	[smem:$0x3F99] =	sst s1;
	(tag) =	ssettag s2;
	_ =	strace s9  }
0x27: {  	s1 =	sld [smem:$0x3FA9]  }
0x28: {  	s2 =	sld [smem:$0x3FAA]  }
0x29: {  	s4 =	sld [smem:$0x3FAC]  }
0x2a: {  	p0 =	seq.s32 s5, $0x0;
	s5 =	sld [smem:$0x3FAD]  }
0x2b: {  	s6 =	sld [smem:$0x3FAE]  }
0x2c: {  	s7 =	sld [smem:$0x3FAF]  }
0x2d: {  	s3 =	simm.s32 $0x108;
	s8 =	sld [smem:$0x3FB0]  }
0x2e: {  	s3 =	simm.s32 @!p0 $0x1082;
	s9 =	sld [smem:$0x3FB1]  }
0x2f: {  	lr =	sadd.s32 s0, s3;
	s0 =	sld [smem:$0x3FA8]  }
0x30: {  	s3 =	sld [smem:$0x3FAB]  }
0x31: {  	[smem:$0x3FB4] =	sst s10  }
0x32: {  	s10 =	sld [smem:$0x3FB2];
	_ =	sdelay $0x3  }
0x33: {  	p0 =	seq.s32 s10, $0x1;
	s10 =	sld [smem:$0x3FB4];
	_ =	sdelay $0x3  }
0x34: {  	[smem:$0x3FB4] =	sst s10  }
0x35: {  	s10 =	sld [smem:$0x3FB3];
	_ =	sdelay $0x3  }
0x36: {  	p1 =	seq.s32 s10, $0x1;
	s10 =	sld [smem:$0x3FB4];
	_ =	sdelay $0x3  }
0x37: {  	[smem:$0x3FB4] =	sst s10  }
0x38: {  	s10 =	sld [smem:$0x3FB5]  }
0x39: {  	_ = 	snop;
	(pc) =	sbr.ind lr, $3  }
0x3a: {  	_ = 	snop  }
0x3b: {  	_ = 	snop  }
0x3c: {  	p2 =	seq.s32 s10, $0x1;
	s10 =	sld [smem:$0x3FB4]  }
0x3d: {  	_ =	shalt  }
0x3e: {  	_ =	shalt  }
0x3f: {  	_ =	shalt  }
0x40: {  	_ =	shalt  }
0x41: {  	_ =	shalt  }
0x42: {  	_ =	shalt  }
0x43: {  	_ =	shalt  }
0x44: {  	_ =	shalt  }
0x45: {  	_ =	shalt  }
0x46: {  	_ =	shalt  }
0x47: {  	_ =	shalt  }
0x48: {  	_ =	shalt  }
0x49: {  	_ =	shalt  }
0x4a: {  	_ =	shalt  }
0x4b: {  	_ =	shalt  }
0x4c: {  	_ =	shalt  }
0x4d: {  	_ =	shalt  }
0x4e: {  	_ =	shalt  }
0x4f: {  	_ =	shalt  }
0x50: {  	_ =	shalt  }
0x51: {  	_ =	shalt  }
0x52: {  	_ =	shalt  }
0x53: {  	_ =	shalt  }
0x54: {  	_ =	shalt  }
0x55: {  	_ =	shalt  }
0x56: {  	_ =	shalt  }
0x57: {  	_ =	shalt  }
0x58: {  	_ =	shalt  }
0x59: {  	_ =	shalt  }
0x5a: {  	_ =	shalt  }
0x5b: {  	_ =	shalt  }
0x5c: {  	_ =	shalt  }
0x5d: {  	_ =	shalt  }
0x5e: {  	_ =	shalt  }
0x5f: {  	_ =	shalt  }
0x60: {  	_ =	shalt  }
0x61: {  	_ =	shalt  }
0x62: {  	_ =	shalt  }
0x63: {  	_ =	shalt  }
0x64: {  	_ =	shalt  }
0x65: {  	_ =	shalt  }
0x66: {  	_ =	shalt  }
0x67: {  	_ =	shalt  }
0x68: {  	_ =	shalt  }
0x69: {  	_ =	shalt  }
0x6a: {  	_ =	shalt  }
0x6b: {  	_ =	shalt  }
0x6c: {  	_ =	shalt  }
0x6d: {  	_ =	shalt  }
0x6e: {  	_ =	shalt  }
0x6f: {  	_ =	shalt  }
0x70: {  	_ =	shalt  }
0x71: {  	_ =	shalt  }
0x72: {  	_ =	shalt  }
0x73: {  	_ =	shalt  }
0x74: {  	_ =	shalt  }
0x75: {  	_ =	shalt  }
0x76: {  	_ =	shalt  }
0x77: {  	_ =	shalt  }
0x78: {  	_ =	shalt  }
0x79: {  	_ =	shalt  }
0x7a: {  	_ =	shalt  }
0x7b: {  	_ =	shalt  }
0x7c: {  	_ =	shalt  }
0x7d: {  	_ =	shalt  }
0x7e: {  	_ =	shalt  }
0x7f: {  	_ =	shalt  }
0x80: {  	_ =	shalt  }
0x81: {  	_ =	shalt  }
0x82: {  	_ =	shalt  }
0x83: {  	_ =	shalt  }
0x84: {  	_ =	shalt  }
0x85: {  	_ =	shalt  }
0x86: {  	_ =	shalt  }
0x87: {  	_ =	shalt  }
.Lfunc_end0:
.L_simem_size_0:
called_computation.1_lowered:
.L_overlay_start_0:
0x88: {  	s2 =	sld [smem:$0x3FD9]  }
0x89: {  	s3 =	sld [smem:$0x3FFE];
	_ =	sdelay $0x1  }
0x8a: {  	s1 =	srdreg.scid  }
0x8b: {  	s0 =	sand.u32 $0x1, s1  }
0x8c: {  	s17 =	sshll.u32 s0, $0xA;
	s2 =	sadd.s32 s3, s2  }
0x8d: {  	s2 =	sadd.s32 s2, s17  }
0x8e: {  	[smem:$0x3FC0] =	sst s2  }
0x8f: {  	_ = 	snop  }
0x90: {  	s2 =	sld [smem:$0x3FD0];
	(tm) =	ssettm $0x1  }
0x91: {  	s18 =	sld [smem:$0x3FFB];
	_ =	sdelay $0x3  }
0x92: {  	_ =	strace s18  }
0x93: {  	s3 =	sld [smem:$0x3FFC];
	_ =	sdelay $0x3  }
0x94: {  	_ =	strace s3  }
0x95: {  	s3 =	sld [smem:$0x3FFD];
	_ =	sdelay $0x3  }
0x96: {  	_ =	strace s3  }
0x97: {  	_ =	strace $0x8FFFFFFF  }
0x98: {  	s19 =	sld [smem:$0x3FDB];
	_ =	sdelay $0x1  }
0x99: {  	s4 =	simm.s32 $_scs_section_size  }
0x9a: {  	s5 =	simm.s32 $_size__tile_overlayer_lowered;
	s6 =	simm.s32 $_tile_overlayer_lowered  }
0x9b: {  	s22 =	simm.s32 $0x1BFF;
	s21 =	sshll.u32 s6, $0x1;
	s3 =	sadd.s32 s4, s19  }
0x9c: {  	s7 =	simm.s32 $0x0;
	s20 =	sshll.u32 s5, $0x1;
	s5 =	sadd.s32 s21, s3  }
0x9d: {  	[timem:s7], [sflag:s22] =	dma.local [hbm:s5], s20  }
0x9e: {  	_ =	swait.ge [sflag:s22], s20  }
0x9f: {  	s4 =	ssub.s32 $0x0, s20;
	[sflag:s22] =	ssyncset.done $0x0  }
0xa0: {  	[sflag:s22] =	ssyncadd.s32 s4;
	_ =	sdelay $0x1  }
0xa1: {  	s23 =	simm.s32 $0x1B8B  }
0xa2: {  	_ =	swait.ge [sflag:s23], $0x1  }
0xa3: {  	[sflag:s23] =	ssyncset.done $0x0  }
0xa4: {  	s25 =	simm.s32 $0x1B8E;
	s24 =	sld [smem:$0x3FFE];
	[sflag:s23] =	ssyncadd.s32 $0xFFFFFFFF  }
0xa5: {  	s26 =	simm.s32 $execute0_lowered;
	[smem:$0x3FD2] =	sst s25  }
0xa6: {  	s5 =	sshll.u32 s26, $0x1;
	_ =	strace $0x80000049;
	[dreg:$0x1] =	wrdreg $0xFFFFFFFF  }
0xa7: {  	s28 =	simm.s32 $_size_execute0_lowered;
	s3 =	sadd.s32 s3, s5;
	[dreg:$0x0] =	wrdreg $0x0  }
0xa8: {  	s5 =	sshll.u32 s28, $0x1;
	[dreg:$0x2] =	wrdreg s3  }
0xa9: {  	[dreg:$0x3] =	wrdreg s5  }
0xaa: {  	[dreg:$0x4] =	wrdreg $0xC0  }
0xab: {  	_ =	task [dreg:s7], $0x5FFFF  }
0xac: {  	[dreg:$0x1] =	wrdreg $0xFFFFFFFF  }
0xad: {  	[dreg:$0x0] =	wrdreg $0x60  }
0xae: {  	[dreg:$0x2] =	wrdreg s2  }
0xaf: {  	[dreg:$0x3] =	wrdreg s24  }
0xb0: {  	[dreg:$0x4] =	wrdreg $0x9D200  }
0xb1: {  	[dreg:$0x5] =	wrdreg $0x9  }
0xb2: {  	_ =	task.clear_ibuf [dreg:s7], $0x6FFFF;
	_ =	strace $0x90000049  }
0xb3: {  	s29 =	simm.s32 $0x9;
	_ =	strace $0x8000004B  }
0xb4: {  	_ =	swait.ge [sflag:s29], $0x1  }
0xb5: {  	[sflag:s29] =	ssyncadd.s32 $0xFFFFFFFF  }
0xb6: {  	_ =	strace $0x9000004B  }
0xb7: {  	_ =	sfence  }
0xb8: {  	s30 =	sld [smem:$0x0];
	_ =	sdelay $0x2  }
0xb9: {  	s31 =	sshll.u32 s1, $0xD;
	s1 =	sshrl.u32 s1, $0x2  }
0xba: {  	s3 =	sand.u32 $0x4000, s31;
	s1 =	sadd.s32 s1, s30  }
0xbb: {  	s0 =	sor.u32 s3, s0;
	s1 =	sshll.u32 s1, $0x11  }
0xbc: {  	s0 =	sor.u32 s1, s0  }
0xbd: {  	s0 =	sadd.s32 $0x8F2B, s0  }
0xbe: {  	[sflag:s0] =	ssyncadd.remote.s32 $0x1  }
0xbf: {  	_ =	sfence.sel $0xFFFF  }
0xc0: {  	[dreg:$0x0] =	wrdreg $0xFFFFFFFF;
	(pc) =	sbr.abs _section_cstart, $3  }
0xc1: {  	[dreg:$0x1] =	wrdreg $0xFFFFFFFF  }
0xc2: {  	_ =	task.clear_ibuf [dreg:s7], $0x2FFFF;
	_ =	strace $0x9FFFFFFF  }
0xc3: {  	(tm) =	ssettm $0x7FFFFFFF  }
tec
execute0_lowered:
.L_overlay_start_1:
0x0: {  	(tag) =	ssettag $0x1  }
0x1: {  	s2 =	srdreg.scid;
	s1 =	rddreg [dreg:$0x0]  }
0x2: {  	s0 =	stileid.u32;
	s6 =	rddreg [dreg:$0x1]  }
0x3: {  	s3 =	rddreg [dreg:$0x2];
	s4 =	simm.s32 $0x0;
	s12 =	simm.s32 $0x2  }
0x4: {  	s13 =	simm.s32 $0x4F00;
	s14 =	simm.s32 $0x80;
	s15 =	simm.s32 $0xEB50  }
0x5: {  	s16 =	simm.s32 $0x1;
	s17 =	simm.s32 $0x0;
	s8 =	smul.u32 $0x4E20, s0  }
0x6: {  	s5 =	sand.u32 $0x1, s2;
	s30 =	sshll.u32 s0, $0x1;
	s9 =	smul.u32 $0x9C4, s0  }
0x7: {  	[smem:$0x7FF] =	sst s4;
	s2 =	sor.u32 s5, s30;
	s10 =	smul.u32 $0x9C40, s5  }
0x8: {  	s5 =	ssub.s32 $0x2, s5;
	s7 =	smul.u32 $0x4F0, s2;
	s2 =	rddreg [dreg:$0x3]  }
0x9: {  	_ =	strace $0x8000004A;
	s11 =	sshrl.u32 s8, $0x3;
	s31 =	sshrl.u32 s5, $0x1  }
0xa: {  	s11 =	sadd.s32 s11, s6;
	s9 =	sadd.s32 s9, s10;
	s10 =	ssub.s32 s5, s31  }
0xb: {  	s7 =	sadd.s32 s7, s6;
	s9 =	sadd.s32 s9, s6;
	s6 =	sadd.s32 $0x16C00, s11  }
0xc: {  	s11 =	simm.s32 $0x4F000;
	s5 =	sadd.s32 $0x3000, s7;
	s7 =	sadd.s32 s8, s3  }
0xd: {  	s8 =	sadd.s32 $0x20A00, s9;
	s9 =	smax.u32 s10, $0x1;
	s10 =	simm.s32 $0x2780  }
.LBB2_1:
0xe: {  	[tilespmem:s4], [sflag:$0x2] =	stream.strided.gather [hbm4b:s5+s10], $0x4F00, s11, s10, $0x38;
	[tilespmem:$0xFB50] =	vst v63  }
0xf: {  	_ =	swait.ge [sflag:s12], $0x4F00  }
0x10: {  	[sflag:s12] =	ssyncset.done $0x0  }
0x11: {  	[sflag:s12] =	ssyncadd.s32 $0xFFFFB100  }
0x12: {  	[tilespmem:s13], [sflag:$0x2] =	stream.linear.gather [hbm4b:s6+s4], $0x4E20, $0x38;
	[tilespmem:$0xFB50] =	vst v63  }
0x13: {  	_ =	swait.ge [sflag:s12], $0x4E20  }
0x14: {  	[sflag:s12] =	ssyncset.done $0x0  }
0x15: {  	[sflag:s12] =	ssyncadd.s32 $0xFFFFB1E0  }
0x16: {  	[spmem:s7] =	stream.linear.scatter [tilespmem:s13], [sflag:$0x2], $0x4E20, $0x38;
	[tilespmem:$0xFB50] =	vst v63  }
0x17: {  	_ =	swait.ge [sflag:s12], $0x4E20  }
0x18: {  	[sflag:s12] =	ssyncset.done $0x0  }
0x19: {  	[sflag:s12] =	ssyncadd.s32 $0xFFFFB1E0  }
0x1a: {  	s18 =	simm.s32 $0x0;
	[bflag:$0x0] =	sbarrier.arrive $0xFFFF  }
0x1b: {  	[tilespmem:s15], [sflag:$0x1] =	stream.indirect.gather [hbm4b:s1+s14], $0x20, s18, s14, $0xb8;
	[tilespmem:$0xFB50] =	vst v63  }
0x1c: {  	_ =	swait.ge [sflag:s16], $0x1000  }
0x1d: {  	[sflag:s16] =	ssyncset.done $0x0  }
0x1e: {  	s31 =	simm.s32 $0x2780;
	[sflag:s16] =	ssyncadd.s32 $0xFFFFF000  }
0x1f: {  	[spmem:s3] =	stream.indirect.scatter.add.f32 [tilespmem:s15], [sflag:$0x2], $0x20, s31, s14, $0xb8;
	[tilespmem:$0xFB50] =	vst v63  }
0x20: {  	_ =	swait.ge [sflag:s12], $0x1000  }
0x21: {  	s19 =	simm.s32 $0x400;
	s18 =	simm.s32 $0x200;
	[sflag:s12] =	ssyncset.done $0x0  }
.LBB2_2:
0x22: {  	s20 =	sshra.s32 s18, $0x2  }
0x23: {  	[sflag:s12] =	ssyncadd.s32 $0xFFFFF000;
	s18 =	smov.u32 s19;
	s21 =	sadd.s32 $0x200, s19  }
0x24: {  	[tilespmem:s15], [sflag:$0x1] =	stream.indirect.gather [hbm4b:s1+s14], $0x20, s20, s14, $0xb8;
	[tilespmem:$0xFB50] =	vst v63  }
0x25: {  	p0 =	sne.s32 s19, $0x9C00;
	_ =	swait.ge [sflag:s16], $0x1000  }
.Ltmp0:
0x26: {  	[sflag:s16] =	ssyncset.done $0x0;
	(pc) =	sbr.rel @p0 .LBB2_2-.Ltmp0, $4  }
0x27: {  	s19 =	sadd.s32 $0x2780, s20;
	[sflag:s16] =	ssyncadd.s32 $0xFFFFF000  }
0x28: {  	[spmem:s3] =	stream.indirect.scatter.add.f32 [tilespmem:s15], [sflag:$0x2], $0x20, s19, s14, $0xb8;
	[tilespmem:$0xFB50] =	vst v63  }
0x29: {  	_ =	swait.ge [sflag:s12], $0x1000  }
0x2a: {  	s19 =	smov.u32 s21;
	[sflag:s12] =	ssyncset.done $0x0  }
0x2b: {  	s18 =	sshra.s32 s18, $0x2;
	[sflag:s12] =	ssyncadd.s32 $0xFFFFF000  }
0x2c: {  	[tilespmem:s15], [sflag:$0x1] =	stream.indirect.gather [hbm4b:s1+s14], $0x20, s18, s14, $0xb8;
	[tilespmem:$0xFB50] =	vst v63  }
0x2d: {  	_ =	swait.ge [sflag:s16], $0x1000  }
0x2e: {  	[sflag:s16] =	ssyncset.done $0x0  }
0x2f: {  	s18 =	sadd.s32 $0x2780, s18;
	[sflag:s16] =	ssyncadd.s32 $0xFFFFF000  }
0x30: {  	[spmem:s3] =	stream.indirect.scatter.add.f32 [tilespmem:s15], [sflag:$0x2], $0x20, s18, s14, $0xb8;
	[tilespmem:$0xFB50] =	vst v63  }
0x31: {  	_ =	swait.ge [sflag:s12], $0x1000  }
0x32: {  	[sflag:s12] =	ssyncset.done $0x0  }
0x33: {  	[sflag:s12] =	ssyncadd.s32 $0xFFFFF000  }
0x34: {  	[bflag:$0x0] =	sbarrier.arrive $0xFFFF  }
0x35: {  	[tilespmem:s13], [sflag:$0x2] =	stream.linear.gather [spmem:s7], $0x4E20, $0x38;
	[tilespmem:$0xFB50] =	vst v63  }
0x36: {  	s17 =	sadd.s32 $0x1, s17;
	_ =	swait.ge [sflag:s12], $0x4E20  }
0x37: {  	p0 =	sne.s32 s17, s9;
	[sflag:s12] =	ssyncset.done $0x0  }
.Ltmp1:
0x38: {  	[sflag:s12] =	ssyncadd.s32 $0xFFFFB1E0;
	(pc) =	sbr.rel @p0 .LBB2_1-.Ltmp1, $4  }
0x39: {  	[hbm4b:s8+s4] =	stream.linear.scatter [tilespmem:s13], [sflag:$0x2], $0x4E20, $0x38;
	[tilespmem:$0xFB50] =	vst v63  }
0x3a: {  	_ =	swait.ge [sflag:s12], $0x4E20  }
0x3b: {  	[sflag:s12] =	ssyncset.done $0x0  }
0x3c: {  	[sflag:s12] =	ssyncadd.s32 $0xFFFFB1E0  }
0x3d: {  	_ =	sfence.sel $0x180000  }
0x3e: {  	[bflag:$0x0] =	sbarrier.arrive $0xFFFF  }
0x3f: {  	p0 =	sne.s32 s0, $0x0;
	_ =	strace $0x9000004A  }
0x40: {  	s0 =	sadd.s32 @!p0 $0x100000, s2;
	[bflag:$0x2] =	sbarrier.arrive $0xFFFF  }
0x41: {  	[sflag:s0] =	ssyncadd.tile.s32 @!p0 $0x1;
	_ =	shalt  }
.Lfunc_end2:
_tile_overlayer_lowered:
.L_overlay_start_2:
0x42: {  	(tag) =	ssettag $0x2  }
0x43: {  	s0 =	rddreg [dreg:$0x0];
	s2 =	stileid.u32  }
0x44: {  	s1 =	rddreg [dreg:$0x1];
	p0 =	sne.s32 s2, $0x0  }
0x45: {  	s3 =	rddreg [dreg:$0x2];
	[bflag:$0x3] =	sbarrier.arrive $0xFFFF;
	s2 =	simm.s32 @!p0 $0x1C02  }
0x46: {  	[timem:s3], [sflag:s2] =	dma.local @!p0 [hbm:s0], s1  }
0x47: {  	s0 =	simm.s32 @!p0 $0x2  }
0x48: {  	_ =	swait.ge @!p0 [sflag:s0], s1  }
0x49: {  	s1 =	ssub.s32 @!p0 $0x0, s1;
	[sflag:s0] =	ssyncset.done @!p0 $0x0  }
0x4a: {  	[sflag:s0] =	ssyncadd.s32 @!p0 s1  }
0x4b: {  	[bflag:$0x3] =	sbarrier.arrive $0xFFFF  }
0x4c: {  	_ =	shalt  }

// kernel: kernel.14.cloned.1.call-start
scs
__scs_entry_jumppad:
0x0: {  	(pc) =	sbr.rel $0x88, $3  }
0x1: {  	(tag) =	ssettag $0x0;
	lr =	simm.s32 $0x1  }
0x2: {  	[smem:$0x3F99] =	sst lr;
	_ =	strace $0xD0000000  }
0x3: {  	_ = 	snop  }
0x4: {  	_ = 	snop  }
0x5: {  	_ = 	snop  }
0x6: {  	_ = 	snop  }
0x7: {  	_ = 	snop  }
__scs_overlays_trampoline_lowered:
0x8: {  	[smem:$0x3FA8] =	sst s0  }
0x9: {  	[smem:$0x3FA9] =	sst s1  }
0xa: {  	[smem:$0x3FAA] =	sst s2  }
0xb: {  	[smem:$0x3FAB] =	sst s3  }
0xc: {  	[smem:$0x3FAC] =	sst s4  }
0xd: {  	[smem:$0x3FAD] =	sst s5  }
0xe: {  	[smem:$0x3FAE] =	sst s6  }
0xf: {  	[smem:$0x3FAF] =	sst s7  }
0x10: {  	[smem:$0x3FB0] =	sst s8  }
0x11: {  	[smem:$0x3FB1] =	sst s9;
	s0 =	simm.s32 @!p0 $0x0  }
0x12: {  	s1 =	sld [smem:$0x3F97];
	s0 =	simm.s32 @p0 $0x1  }
0x13: {  	[smem:$0x3FB2] =	sst s0;
	s0 =	simm.s32 @!p1 $0x0  }
0x14: {  	s2 =	sld [smem:$0x3F96];
	s0 =	simm.s32 @p1 $0x1  }
0x15: {  	[smem:$0x3FB3] =	sst s0;
	s0 =	simm.s32 @!p2 $0x0  }
0x16: {  	s3 =	sld [smem:$0x3FDB];
	s0 =	simm.s32 @p2 $0x1  }
0x17: {  	s4 =	simm.s32 $0x1BF5;
	[smem:$0x3FB5] =	sst s0  }
0x18: {  	s0 =	sld [smem:$0x3F98];
	_ =	swait.ge [sflag:s4], $0x0  }
0x19: {  	s7 =	sld [smem:$0x3F99]  }
0x1a: {  	s8 =	sadd.s32 $0xFFFFE003, lr  }
0x1b: {  	s9 =	sadd.s32 $0xFFFFFEF7, lr;
	s5 =	simm.s32 $0xFFFFFFFF;
	p2 =	slt.u32 s8, $0xFFFFF086  }
0x1c: {  	p1 =	slt.u32 s9, $0xF7A;
	s5 =	simm.s32 @!p2 $0x0  }
0x1d: {  	s5 =	simm.s32 @p1 $0x1;
	p0 =	seq.s32 s7, s2  }
0x1e: {  	s7 =	smul.u32 @!p0 $0xF7A, s2;
	p2 =	seq.s32 @!p0 s5, $0x0  }
0x1f: {  	s9 =	smul.u32 $0xF7A, s1;
	s8 =	simm.s32 @!p0 $0x1BF5;
	p2 =	por !p2, p0  }
0x20: {  	[sflag:s8] =	ssyncset.s32 @!p0 $0xFFFFF086;
	s6 =	sadd.s32 @!p0 s3, s7;
	s7 =	simm.s32 @!p0 $0x108  }
0x21: {  	s3 =	sadd.s32 s3, s9;
	s6 =	sadd.s32 @!p0 $0x88, s6;
	s7 =	simm.s32 @p2 $0x1082  }
0x22: {  	[simem:s7], [sflag:s8] =	dma.local @!p0 [hbm:s6], $0xF7A  }
0x23: {  	s9 =	sor.u32 $0xD0000000, s2;
	s6 =	simm.s32 $0x108;
	_ =	swait.ge @!p0 [sflag:s8], $0x0  }
0x24: {  	s3 =	sadd.s32 $0x88, s3;
	s6 =	simm.s32 @!p1 $0x1082;
	[sflag:s4] =	ssyncset.s32 $0xFFFFF086  }
0x25: {  	[simem:s6], [sflag:s4] =	dma.local [hbm:s3], $0xF7A  }
0x26: {  	[smem:$0x3F99] =	sst s1;
	(tag) =	ssettag s2;
	_ =	strace s9  }
0x27: {  	s1 =	sld [smem:$0x3FA9]  }
0x28: {  	s2 =	sld [smem:$0x3FAA]  }
0x29: {  	s4 =	sld [smem:$0x3FAC]  }
0x2a: {  	p0 =	seq.s32 s5, $0x0;
	s5 =	sld [smem:$0x3FAD]  }
0x2b: {  	s6 =	sld [smem:$0x3FAE]  }
0x2c: {  	s7 =	sld [smem:$0x3FAF]  }
0x2d: {  	s3 =	simm.s32 $0x108;
	s8 =	sld [smem:$0x3FB0]  }
0x2e: {  	s3 =	simm.s32 @!p0 $0x1082;
	s9 =	sld [smem:$0x3FB1]  }
0x2f: {  	lr =	sadd.s32 s0, s3;
	s0 =	sld [smem:$0x3FA8]  }
0x30: {  	s3 =	sld [smem:$0x3FAB]  }
0x31: {  	[smem:$0x3FB4] =	sst s10  }
0x32: {  	s10 =	sld [smem:$0x3FB2];
	_ =	sdelay $0x3  }
0x33: {  	p0 =	seq.s32 s10, $0x1;
	s10 =	sld [smem:$0x3FB4];
	_ =	sdelay $0x3  }
0x34: {  	[smem:$0x3FB4] =	sst s10  }
0x35: {  	s10 =	sld [smem:$0x3FB3];
	_ =	sdelay $0x3  }
0x36: {  	p1 =	seq.s32 s10, $0x1;
	s10 =	sld [smem:$0x3FB4];
	_ =	sdelay $0x3  }
0x37: {  	[smem:$0x3FB4] =	sst s10  }
0x38: {  	s10 =	sld [smem:$0x3FB5]  }
0x39: {  	_ = 	snop;
	(pc) =	sbr.ind lr, $3  }
0x3a: {  	_ = 	snop  }
0x3b: {  	_ = 	snop  }
0x3c: {  	p2 =	seq.s32 s10, $0x1;
	s10 =	sld [smem:$0x3FB4]  }
0x3d: {  	_ =	shalt  }
0x3e: {  	_ =	shalt  }
0x3f: {  	_ =	shalt  }
0x40: {  	_ =	shalt  }
0x41: {  	_ =	shalt  }
0x42: {  	_ =	shalt  }
0x43: {  	_ =	shalt  }
0x44: {  	_ =	shalt  }
0x45: {  	_ =	shalt  }
0x46: {  	_ =	shalt  }
0x47: {  	_ =	shalt  }
0x48: {  	_ =	shalt  }
0x49: {  	_ =	shalt  }
0x4a: {  	_ =	shalt  }
0x4b: {  	_ =	shalt  }
0x4c: {  	_ =	shalt  }
0x4d: {  	_ =	shalt  }
0x4e: {  	_ =	shalt  }
0x4f: {  	_ =	shalt  }
0x50: {  	_ =	shalt  }
0x51: {  	_ =	shalt  }
0x52: {  	_ =	shalt  }
0x53: {  	_ =	shalt  }
0x54: {  	_ =	shalt  }
0x55: {  	_ =	shalt  }
0x56: {  	_ =	shalt  }
0x57: {  	_ =	shalt  }
0x58: {  	_ =	shalt  }
0x59: {  	_ =	shalt  }
0x5a: {  	_ =	shalt  }
0x5b: {  	_ =	shalt  }
0x5c: {  	_ =	shalt  }
0x5d: {  	_ =	shalt  }
0x5e: {  	_ =	shalt  }
0x5f: {  	_ =	shalt  }
0x60: {  	_ =	shalt  }
0x61: {  	_ =	shalt  }
0x62: {  	_ =	shalt  }
0x63: {  	_ =	shalt  }
0x64: {  	_ =	shalt  }
0x65: {  	_ =	shalt  }
0x66: {  	_ =	shalt  }
0x67: {  	_ =	shalt  }
0x68: {  	_ =	shalt  }
0x69: {  	_ =	shalt  }
0x6a: {  	_ =	shalt  }
0x6b: {  	_ =	shalt  }
0x6c: {  	_ =	shalt  }
0x6d: {  	_ =	shalt  }
0x6e: {  	_ =	shalt  }
0x6f: {  	_ =	shalt  }
0x70: {  	_ =	shalt  }
0x71: {  	_ =	shalt  }
0x72: {  	_ =	shalt  }
0x73: {  	_ =	shalt  }
0x74: {  	_ =	shalt  }
0x75: {  	_ =	shalt  }
0x76: {  	_ =	shalt  }
0x77: {  	_ =	shalt  }
0x78: {  	_ =	shalt  }
0x79: {  	_ =	shalt  }
0x7a: {  	_ =	shalt  }
0x7b: {  	_ =	shalt  }
0x7c: {  	_ =	shalt  }
0x7d: {  	_ =	shalt  }
0x7e: {  	_ =	shalt  }
0x7f: {  	_ =	shalt  }
0x80: {  	_ =	shalt  }
0x81: {  	_ =	shalt  }
0x82: {  	_ =	shalt  }
0x83: {  	_ =	shalt  }
0x84: {  	_ =	shalt  }
0x85: {  	_ =	shalt  }
0x86: {  	_ =	shalt  }
0x87: {  	_ =	shalt  }
.Lfunc_end0:
.L_simem_size_0:
called_computation.2_lowered:
.L_overlay_start_0:
0x88: {  	s2 =	sld [smem:$0x3FD9]  }
0x89: {  	s3 =	sld [smem:$0x3FFE];
	_ =	sdelay $0x1  }
0x8a: {  	s1 =	srdreg.scid  }
0x8b: {  	s0 =	sand.u32 $0x1, s1  }
0x8c: {  	s17 =	sshll.u32 s0, $0xA;
	s2 =	sadd.s32 s3, s2  }
0x8d: {  	s2 =	sadd.s32 s2, s17  }
0x8e: {  	[smem:$0x3FC0] =	sst s2  }
0x8f: {  	_ = 	snop  }
0x90: {  	s2 =	sld [smem:$0x3FD0];
	(tm) =	ssettm $0x1  }
0x91: {  	s18 =	sld [smem:$0x3FFB];
	_ =	sdelay $0x3  }
0x92: {  	_ =	strace s18  }
0x93: {  	s3 =	sld [smem:$0x3FFC];
	_ =	sdelay $0x3  }
0x94: {  	_ =	strace s3  }
0x95: {  	s3 =	sld [smem:$0x3FFD];
	_ =	sdelay $0x3  }
0x96: {  	_ =	strace s3  }
0x97: {  	_ =	strace $0x8FFFFFFF  }
0x98: {  	s19 =	sld [smem:$0x3FDB];
	_ =	sdelay $0x1  }
0x99: {  	s4 =	simm.s32 $_scs_section_size  }
0x9a: {  	s5 =	simm.s32 $_size__tile_overlayer_lowered;
	s6 =	simm.s32 $_tile_overlayer_lowered  }
0x9b: {  	s22 =	simm.s32 $0x1BFF;
	s21 =	sshll.u32 s6, $0x1;
	s3 =	sadd.s32 s4, s19  }
0x9c: {  	s7 =	simm.s32 $0x0;
	s20 =	sshll.u32 s5, $0x1;
	s5 =	sadd.s32 s21, s3  }
0x9d: {  	[timem:s7], [sflag:s22] =	dma.local [hbm:s5], s20  }
0x9e: {  	_ =	swait.ge [sflag:s22], s20  }
0x9f: {  	s4 =	ssub.s32 $0x0, s20;
	[sflag:s22] =	ssyncset.done $0x0  }
0xa0: {  	[sflag:s22] =	ssyncadd.s32 s4;
	_ =	sdelay $0x1  }
0xa1: {  	s23 =	simm.s32 $0x1B8B  }
0xa2: {  	_ =	swait.ge [sflag:s23], $0x1  }
0xa3: {  	[sflag:s23] =	ssyncset.done $0x0  }
0xa4: {  	s25 =	simm.s32 $0x1B8E;
	s24 =	sld [smem:$0x3FFE];
	[sflag:s23] =	ssyncadd.s32 $0xFFFFFFFF  }
0xa5: {  	s26 =	simm.s32 $execute0_lowered;
	[smem:$0x3FD2] =	sst s25  }
0xa6: {  	s5 =	sshll.u32 s26, $0x1;
	_ =	strace $0x8000004C;
	[dreg:$0x1] =	wrdreg $0xFFFFFFFF  }
0xa7: {  	s28 =	simm.s32 $_size_execute0_lowered;
	s3 =	sadd.s32 s3, s5;
	[dreg:$0x0] =	wrdreg $0x0  }
0xa8: {  	s5 =	sshll.u32 s28, $0x1;
	[dreg:$0x2] =	wrdreg s3  }
0xa9: {  	[dreg:$0x3] =	wrdreg s5  }
0xaa: {  	[dreg:$0x4] =	wrdreg $0xC0  }
0xab: {  	_ =	task [dreg:s7], $0x5FFFF  }
0xac: {  	[dreg:$0x1] =	wrdreg $0xFFFFFFFF  }
0xad: {  	[dreg:$0x0] =	wrdreg $0x60  }
0xae: {  	[dreg:$0x2] =	wrdreg s2  }
0xaf: {  	[dreg:$0x3] =	wrdreg s24  }
0xb0: {  	[dreg:$0x4] =	wrdreg $0xB0A80  }
0xb1: {  	[dreg:$0x5] =	wrdreg $0x9  }
0xb2: {  	_ =	task.clear_ibuf [dreg:s7], $0x6FFFF;
	_ =	strace $0x9000004C  }
0xb3: {  	s29 =	simm.s32 $0x9;
	_ =	strace $0x8000004E  }
0xb4: {  	_ =	swait.ge [sflag:s29], $0x1  }
0xb5: {  	[sflag:s29] =	ssyncadd.s32 $0xFFFFFFFF  }
0xb6: {  	_ =	strace $0x9000004E  }
0xb7: {  	_ =	sfence  }
0xb8: {  	s30 =	sld [smem:$0x0];
	_ =	sdelay $0x2  }
0xb9: {  	s31 =	sshll.u32 s1, $0xD;
	s1 =	sshrl.u32 s1, $0x2  }
0xba: {  	s3 =	sand.u32 $0x4000, s31;
	s1 =	sadd.s32 s1, s30  }
0xbb: {  	s0 =	sor.u32 s3, s0;
	s1 =	sshll.u32 s1, $0x11  }
0xbc: {  	s0 =	sor.u32 s1, s0  }
0xbd: {  	s0 =	sadd.s32 $0x8F2B, s0  }
0xbe: {  	[sflag:s0] =	ssyncadd.remote.s32 $0x1  }
0xbf: {  	_ =	sfence.sel $0xFFFF  }
0xc0: {  	[dreg:$0x0] =	wrdreg $0xFFFFFFFF;
	(pc) =	sbr.abs _section_cstart, $3  }
0xc1: {  	[dreg:$0x1] =	wrdreg $0xFFFFFFFF  }
0xc2: {  	_ =	task.clear_ibuf [dreg:s7], $0x2FFFF;
	_ =	strace $0x9FFFFFFF  }
0xc3: {  	(tm) =	ssettm $0x7FFFFFFF  }
tec
execute0_lowered:
.L_overlay_start_1:
0x0: {  	(tag) =	ssettag $0x1  }
0x1: {  	s2 =	srdreg.scid;
	s1 =	rddreg [dreg:$0x0]  }
0x2: {  	s0 =	stileid.u32;
	s6 =	rddreg [dreg:$0x1]  }
0x3: {  	s3 =	rddreg [dreg:$0x2];
	s4 =	simm.s32 $0x0;
	s12 =	simm.s32 $0x2  }
0x4: {  	s13 =	simm.s32 $0x4F00;
	s14 =	simm.s32 $0x80;
	s15 =	simm.s32 $0x11268  }
0x5: {  	s16 =	simm.s32 $0x1;
	s17 =	simm.s32 $0x0;
	s8 =	smul.u32 $0x61A8, s0  }
0x6: {  	s5 =	sand.u32 $0x1, s2;
	s30 =	sshll.u32 s0, $0x1;
	s9 =	smul.u32 $0xC35, s0  }
0x7: {  	[smem:$0x7FF] =	sst s4;
	s2 =	sor.u32 s5, s30;
	s10 =	smul.u32 $0xC350, s5  }
0x8: {  	s5 =	ssub.s32 $0x2, s5;
	s7 =	smul.u32 $0x4F0, s2;
	s2 =	rddreg [dreg:$0x3]  }
0x9: {  	_ =	strace $0x8000004D;
	s11 =	sshrl.u32 s8, $0x3;
	s31 =	sshrl.u32 s5, $0x1  }
0xa: {  	s11 =	sadd.s32 s11, s6;
	s9 =	sadd.s32 s9, s10;
	s10 =	ssub.s32 s5, s31  }
0xb: {  	s7 =	sadd.s32 s7, s6;
	s9 =	sadd.s32 s9, s6;
	s6 =	sadd.s32 $0x16C00, s11  }
0xc: {  	s11 =	simm.s32 $0x4F000;
	s5 =	sadd.s32 $0x3000, s7;
	s7 =	sadd.s32 s8, s3  }
0xd: {  	s8 =	sadd.s32 $0x23000, s9;
	s9 =	smax.u32 s10, $0x1;
	s10 =	simm.s32 $0x2780  }
.LBB2_1:
0xe: {  	[tilespmem:s4], [sflag:$0x2] =	stream.strided.gather [hbm4b:s5+s10], $0x4F00, s11, s10, $0x38;
	[tilespmem:$0x12668] =	vst v63  }
0xf: {  	_ =	swait.ge [sflag:s12], $0x4F00  }
0x10: {  	[sflag:s12] =	ssyncset.done $0x0  }
0x11: {  	[sflag:s12] =	ssyncadd.s32 $0xFFFFB100  }
0x12: {  	[tilespmem:s13], [sflag:$0x2] =	stream.linear.gather [hbm4b:s6+s4], $0x61A8, $0x38;
	[tilespmem:$0x12668] =	vst v63  }
0x13: {  	_ =	swait.ge [sflag:s12], $0x61A8  }
0x14: {  	[sflag:s12] =	ssyncset.done $0x0  }
0x15: {  	[sflag:s12] =	ssyncadd.s32 $0xFFFF9E58  }
0x16: {  	[spmem:s7] =	stream.linear.scatter [tilespmem:s13], [sflag:$0x2], $0x61A8, $0x38;
	[tilespmem:$0x12668] =	vst v63  }
0x17: {  	_ =	swait.ge [sflag:s12], $0x61A8  }
0x18: {  	[sflag:s12] =	ssyncset.done $0x0  }
0x19: {  	[sflag:s12] =	ssyncadd.s32 $0xFFFF9E58  }
0x1a: {  	s18 =	simm.s32 $0x0;
	[bflag:$0x0] =	sbarrier.arrive $0xFFFF  }
0x1b: {  	[tilespmem:s15], [sflag:$0x1] =	stream.indirect.gather [hbm4b:s1+s14], $0x28, s18, s14, $0xb8;
	[tilespmem:$0x12668] =	vst v63  }
0x1c: {  	_ =	swait.ge [sflag:s16], $0x1400  }
0x1d: {  	[sflag:s16] =	ssyncset.done $0x0  }
0x1e: {  	s31 =	simm.s32 $0x2780;
	[sflag:s16] =	ssyncadd.s32 $0xFFFFEC00  }
0x1f: {  	[spmem:s3] =	stream.indirect.scatter.add.f32 [tilespmem:s15], [sflag:$0x2], $0x28, s31, s14, $0xb8;
	[tilespmem:$0x12668] =	vst v63  }
0x20: {  	_ =	swait.ge [sflag:s12], $0x1400  }
0x21: {  	s19 =	simm.s32 $0x400;
	s18 =	simm.s32 $0x200;
	[sflag:s12] =	ssyncset.done $0x0  }
.LBB2_2:
0x22: {  	s20 =	sshra.s32 s18, $0x2  }
0x23: {  	[sflag:s12] =	ssyncadd.s32 $0xFFFFEC00;
	s18 =	smov.u32 s19;
	s21 =	sadd.s32 $0x200, s19  }
0x24: {  	[tilespmem:s15], [sflag:$0x1] =	stream.indirect.gather [hbm4b:s1+s14], $0x28, s20, s14, $0xb8;
	[tilespmem:$0x12668] =	vst v63  }
0x25: {  	p0 =	sne.s32 s19, $0x9C00;
	_ =	swait.ge [sflag:s16], $0x1400  }
.Ltmp0:
0x26: {  	[sflag:s16] =	ssyncset.done $0x0;
	(pc) =	sbr.rel @p0 .LBB2_2-.Ltmp0, $4  }
0x27: {  	s19 =	sadd.s32 $0x2780, s20;
	[sflag:s16] =	ssyncadd.s32 $0xFFFFEC00  }
0x28: {  	[spmem:s3] =	stream.indirect.scatter.add.f32 [tilespmem:s15], [sflag:$0x2], $0x28, s19, s14, $0xb8;
	[tilespmem:$0x12668] =	vst v63  }
0x29: {  	_ =	swait.ge [sflag:s12], $0x1400  }
0x2a: {  	s19 =	smov.u32 s21;
	[sflag:s12] =	ssyncset.done $0x0  }
0x2b: {  	s18 =	sshra.s32 s18, $0x2;
	[sflag:s12] =	ssyncadd.s32 $0xFFFFEC00  }
0x2c: {  	[tilespmem:s15], [sflag:$0x1] =	stream.indirect.gather [hbm4b:s1+s14], $0x28, s18, s14, $0xb8;
	[tilespmem:$0x12668] =	vst v63  }
0x2d: {  	_ =	swait.ge [sflag:s16], $0x1400  }
0x2e: {  	[sflag:s16] =	ssyncset.done $0x0  }
0x2f: {  	s18 =	sadd.s32 $0x2780, s18;
	[sflag:s16] =	ssyncadd.s32 $0xFFFFEC00  }
0x30: {  	[spmem:s3] =	stream.indirect.scatter.add.f32 [tilespmem:s15], [sflag:$0x2], $0x28, s18, s14, $0xb8;
	[tilespmem:$0x12668] =	vst v63  }
0x31: {  	_ =	swait.ge [sflag:s12], $0x1400  }
0x32: {  	[sflag:s12] =	ssyncset.done $0x0  }
0x33: {  	[sflag:s12] =	ssyncadd.s32 $0xFFFFEC00  }
0x34: {  	[bflag:$0x0] =	sbarrier.arrive $0xFFFF  }
0x35: {  	[tilespmem:s13], [sflag:$0x2] =	stream.linear.gather [spmem:s7], $0x61A8, $0x38;
	[tilespmem:$0x12668] =	vst v63  }
0x36: {  	s17 =	sadd.s32 $0x1, s17;
	_ =	swait.ge [sflag:s12], $0x61A8  }
0x37: {  	p0 =	sne.s32 s17, s9;
	[sflag:s12] =	ssyncset.done $0x0  }
.Ltmp1:
0x38: {  	[sflag:s12] =	ssyncadd.s32 $0xFFFF9E58;
	(pc) =	sbr.rel @p0 .LBB2_1-.Ltmp1, $4  }
0x39: {  	[hbm4b:s8+s4] =	stream.linear.scatter [tilespmem:s13], [sflag:$0x2], $0x61A8, $0x38;
	[tilespmem:$0x12668] =	vst v63  }
0x3a: {  	_ =	swait.ge [sflag:s12], $0x61A8  }
0x3b: {  	[sflag:s12] =	ssyncset.done $0x0  }
0x3c: {  	[sflag:s12] =	ssyncadd.s32 $0xFFFF9E58  }
0x3d: {  	_ =	sfence.sel $0x180000  }
0x3e: {  	[bflag:$0x0] =	sbarrier.arrive $0xFFFF  }
0x3f: {  	p0 =	sne.s32 s0, $0x0;
	_ =	strace $0x9000004D  }
0x40: {  	s0 =	sadd.s32 @!p0 $0x100000, s2;
	[bflag:$0x2] =	sbarrier.arrive $0xFFFF  }
0x41: {  	[sflag:s0] =	ssyncadd.tile.s32 @!p0 $0x1;
	_ =	shalt  }
.Lfunc_end2:
_tile_overlayer_lowered:
.L_overlay_start_2:
0x42: {  	(tag) =	ssettag $0x2  }
0x43: {  	s0 =	rddreg [dreg:$0x0];
	s2 =	stileid.u32  }
0x44: {  	s1 =	rddreg [dreg:$0x1];
	p0 =	sne.s32 s2, $0x0  }
0x45: {  	s3 =	rddreg [dreg:$0x2];
	[bflag:$0x3] =	sbarrier.arrive $0xFFFF;
	s2 =	simm.s32 @!p0 $0x1C02  }
0x46: {  	[timem:s3], [sflag:s2] =	dma.local @!p0 [hbm:s0], s1  }
0x47: {  	s0 =	simm.s32 @!p0 $0x2  }
0x48: {  	_ =	swait.ge @!p0 [sflag:s0], s1  }
0x49: {  	s1 =	ssub.s32 @!p0 $0x0, s1;
	[sflag:s0] =	ssyncset.done @!p0 $0x0  }
0x4a: {  	[sflag:s0] =	ssyncadd.s32 @!p0 s1  }
0x4b: {  	[bflag:$0x3] =	sbarrier.arrive $0xFFFF  }
0x4c: {  	_ =	shalt  }

// kernel: kernel.8.cloned.1.call-start
scs
__scs_entry_jumppad:
0x0: {  	(pc) =	sbr.rel $0x88, $3  }
0x1: {  	(tag) =	ssettag $0x0;
	lr =	simm.s32 $0x1  }
0x2: {  	[smem:$0x3F99] =	sst lr;
	_ =	strace $0xD0000000  }
0x3: {  	_ = 	snop  }
0x4: {  	_ = 	snop  }
0x5: {  	_ = 	snop  }
0x6: {  	_ = 	snop  }
0x7: {  	_ = 	snop  }
__scs_overlays_trampoline_lowered:
0x8: {  	[smem:$0x3FA8] =	sst s0  }
0x9: {  	[smem:$0x3FA9] =	sst s1  }
0xa: {  	[smem:$0x3FAA] =	sst s2  }
0xb: {  	[smem:$0x3FAB] =	sst s3  }
0xc: {  	[smem:$0x3FAC] =	sst s4  }
0xd: {  	[smem:$0x3FAD] =	sst s5  }
0xe: {  	[smem:$0x3FAE] =	sst s6  }
0xf: {  	[smem:$0x3FAF] =	sst s7  }
0x10: {  	[smem:$0x3FB0] =	sst s8  }
0x11: {  	[smem:$0x3FB1] =	sst s9;
	s0 =	simm.s32 @!p0 $0x0  }
0x12: {  	s1 =	sld [smem:$0x3F97];
	s0 =	simm.s32 @p0 $0x1  }
0x13: {  	[smem:$0x3FB2] =	sst s0;
	s0 =	simm.s32 @!p1 $0x0  }
0x14: {  	s2 =	sld [smem:$0x3F96];
	s0 =	simm.s32 @p1 $0x1  }
0x15: {  	[smem:$0x3FB3] =	sst s0;
	s0 =	simm.s32 @!p2 $0x0  }
0x16: {  	s3 =	sld [smem:$0x3FDB];
	s0 =	simm.s32 @p2 $0x1  }
0x17: {  	s4 =	simm.s32 $0x1BF5;
	[smem:$0x3FB5] =	sst s0  }
0x18: {  	s0 =	sld [smem:$0x3F98];
	_ =	swait.ge [sflag:s4], $0x0  }
0x19: {  	s7 =	sld [smem:$0x3F99]  }
0x1a: {  	s8 =	sadd.s32 $0xFFFFE003, lr  }
0x1b: {  	s9 =	sadd.s32 $0xFFFFFEF7, lr;
	s5 =	simm.s32 $0xFFFFFFFF;
	p2 =	slt.u32 s8, $0xFFFFF086  }
0x1c: {  	p1 =	slt.u32 s9, $0xF7A;
	s5 =	simm.s32 @!p2 $0x0  }
0x1d: {  	s5 =	simm.s32 @p1 $0x1;
	p0 =	seq.s32 s7, s2  }
0x1e: {  	s7 =	smul.u32 @!p0 $0xF7A, s2;
	p2 =	seq.s32 @!p0 s5, $0x0  }
0x1f: {  	s9 =	smul.u32 $0xF7A, s1;
	s8 =	simm.s32 @!p0 $0x1BF5;
	p2 =	por !p2, p0  }
0x20: {  	[sflag:s8] =	ssyncset.s32 @!p0 $0xFFFFF086;
	s6 =	sadd.s32 @!p0 s3, s7;
	s7 =	simm.s32 @!p0 $0x108  }
0x21: {  	s3 =	sadd.s32 s3, s9;
	s6 =	sadd.s32 @!p0 $0x88, s6;
	s7 =	simm.s32 @p2 $0x1082  }
0x22: {  	[simem:s7], [sflag:s8] =	dma.local @!p0 [hbm:s6], $0xF7A  }
0x23: {  	s9 =	sor.u32 $0xD0000000, s2;
	s6 =	simm.s32 $0x108;
	_ =	swait.ge @!p0 [sflag:s8], $0x0  }
0x24: {  	s3 =	sadd.s32 $0x88, s3;
	s6 =	simm.s32 @!p1 $0x1082;
	[sflag:s4] =	ssyncset.s32 $0xFFFFF086  }
0x25: {  	[simem:s6], [sflag:s4] =	dma.local [hbm:s3], $0xF7A  }
0x26: {  	[smem:$0x3F99] =	sst s1;
	(tag) =	ssettag s2;
	_ =	strace s9  }
0x27: {  	s1 =	sld [smem:$0x3FA9]  }
0x28: {  	s2 =	sld [smem:$0x3FAA]  }
0x29: {  	s4 =	sld [smem:$0x3FAC]  }
0x2a: {  	p0 =	seq.s32 s5, $0x0;
	s5 =	sld [smem:$0x3FAD]  }
0x2b: {  	s6 =	sld [smem:$0x3FAE]  }
0x2c: {  	s7 =	sld [smem:$0x3FAF]  }
0x2d: {  	s3 =	simm.s32 $0x108;
	s8 =	sld [smem:$0x3FB0]  }
0x2e: {  	s3 =	simm.s32 @!p0 $0x1082;
	s9 =	sld [smem:$0x3FB1]  }
0x2f: {  	lr =	sadd.s32 s0, s3;
	s0 =	sld [smem:$0x3FA8]  }
0x30: {  	s3 =	sld [smem:$0x3FAB]  }
0x31: {  	[smem:$0x3FB4] =	sst s10  }
0x32: {  	s10 =	sld [smem:$0x3FB2];
	_ =	sdelay $0x3  }
0x33: {  	p0 =	seq.s32 s10, $0x1;
	s10 =	sld [smem:$0x3FB4];
	_ =	sdelay $0x3  }
0x34: {  	[smem:$0x3FB4] =	sst s10  }
0x35: {  	s10 =	sld [smem:$0x3FB3];
	_ =	sdelay $0x3  }
0x36: {  	p1 =	seq.s32 s10, $0x1;
	s10 =	sld [smem:$0x3FB4];
	_ =	sdelay $0x3  }
0x37: {  	[smem:$0x3FB4] =	sst s10  }
0x38: {  	s10 =	sld [smem:$0x3FB5]  }
0x39: {  	_ = 	snop;
	(pc) =	sbr.ind lr, $3  }
0x3a: {  	_ = 	snop  }
0x3b: {  	_ = 	snop  }
0x3c: {  	p2 =	seq.s32 s10, $0x1;
	s10 =	sld [smem:$0x3FB4]  }
0x3d: {  	_ =	shalt  }
0x3e: {  	_ =	shalt  }
0x3f: {  	_ =	shalt  }
0x40: {  	_ =	shalt  }
0x41: {  	_ =	shalt  }
0x42: {  	_ =	shalt  }
0x43: {  	_ =	shalt  }
0x44: {  	_ =	shalt  }
0x45: {  	_ =	shalt  }
0x46: {  	_ =	shalt  }
0x47: {  	_ =	shalt  }
0x48: {  	_ =	shalt  }
0x49: {  	_ =	shalt  }
0x4a: {  	_ =	shalt  }
0x4b: {  	_ =	shalt  }
0x4c: {  	_ =	shalt  }
0x4d: {  	_ =	shalt  }
0x4e: {  	_ =	shalt  }
0x4f: {  	_ =	shalt  }
0x50: {  	_ =	shalt  }
0x51: {  	_ =	shalt  }
0x52: {  	_ =	shalt  }
0x53: {  	_ =	shalt  }
0x54: {  	_ =	shalt  }
0x55: {  	_ =	shalt  }
0x56: {  	_ =	shalt  }
0x57: {  	_ =	shalt  }
0x58: {  	_ =	shalt  }
0x59: {  	_ =	shalt  }
0x5a: {  	_ =	shalt  }
0x5b: {  	_ =	shalt  }
0x5c: {  	_ =	shalt  }
0x5d: {  	_ =	shalt  }
0x5e: {  	_ =	shalt  }
0x5f: {  	_ =	shalt  }
0x60: {  	_ =	shalt  }
0x61: {  	_ =	shalt  }
0x62: {  	_ =	shalt  }
0x63: {  	_ =	shalt  }
0x64: {  	_ =	shalt  }
0x65: {  	_ =	shalt  }
0x66: {  	_ =	shalt  }
0x67: {  	_ =	shalt  }
0x68: {  	_ =	shalt  }
0x69: {  	_ =	shalt  }
0x6a: {  	_ =	shalt  }
0x6b: {  	_ =	shalt  }
0x6c: {  	_ =	shalt  }
0x6d: {  	_ =	shalt  }
0x6e: {  	_ =	shalt  }
0x6f: {  	_ =	shalt  }
0x70: {  	_ =	shalt  }
0x71: {  	_ =	shalt  }
0x72: {  	_ =	shalt  }
0x73: {  	_ =	shalt  }
0x74: {  	_ =	shalt  }
0x75: {  	_ =	shalt  }
0x76: {  	_ =	shalt  }
0x77: {  	_ =	shalt  }
0x78: {  	_ =	shalt  }
0x79: {  	_ =	shalt  }
0x7a: {  	_ =	shalt  }
0x7b: {  	_ =	shalt  }
0x7c: {  	_ =	shalt  }
0x7d: {  	_ =	shalt  }
0x7e: {  	_ =	shalt  }
0x7f: {  	_ =	shalt  }
0x80: {  	_ =	shalt  }
0x81: {  	_ =	shalt  }
0x82: {  	_ =	shalt  }
0x83: {  	_ =	shalt  }
0x84: {  	_ =	shalt  }
0x85: {  	_ =	shalt  }
0x86: {  	_ =	shalt  }
0x87: {  	_ =	shalt  }
.Lfunc_end0:
.L_simem_size_0:
called_computation_lowered:
.L_overlay_start_0:
0x88: {  	s2 =	sld [smem:$0x3FD9]  }
0x89: {  	s3 =	sld [smem:$0x3FFE];
	_ =	sdelay $0x1  }
0x8a: {  	s1 =	srdreg.scid  }
0x8b: {  	s0 =	sand.u32 $0x1, s1  }
0x8c: {  	s17 =	sshll.u32 s0, $0xA;
	s2 =	sadd.s32 s3, s2  }
0x8d: {  	s2 =	sadd.s32 s2, s17  }
0x8e: {  	[smem:$0x3FC0] =	sst s2  }
0x8f: {  	_ = 	snop  }
0x90: {  	s2 =	sld [smem:$0x3FD0];
	(tm) =	ssettm $0x1  }
0x91: {  	s18 =	sld [smem:$0x3FFB];
	_ =	sdelay $0x3  }
0x92: {  	_ =	strace s18  }
0x93: {  	s3 =	sld [smem:$0x3FFC];
	_ =	sdelay $0x3  }
0x94: {  	_ =	strace s3  }
0x95: {  	s3 =	sld [smem:$0x3FFD];
	_ =	sdelay $0x3  }
0x96: {  	_ =	strace s3  }
0x97: {  	_ =	strace $0x8FFFFFFF  }
0x98: {  	s19 =	sld [smem:$0x3FDB];
	_ =	sdelay $0x1  }
0x99: {  	s4 =	simm.s32 $_scs_section_size  }
0x9a: {  	s5 =	simm.s32 $_size__tile_overlayer_lowered;
	s6 =	simm.s32 $_tile_overlayer_lowered  }
0x9b: {  	s22 =	simm.s32 $0x1BFF;
	s21 =	sshll.u32 s6, $0x1;
	s3 =	sadd.s32 s4, s19  }
0x9c: {  	s7 =	simm.s32 $0x0;
	s20 =	sshll.u32 s5, $0x1;
	s5 =	sadd.s32 s21, s3  }
0x9d: {  	[timem:s7], [sflag:s22] =	dma.local [hbm:s5], s20  }
0x9e: {  	_ =	swait.ge [sflag:s22], s20  }
0x9f: {  	s4 =	ssub.s32 $0x0, s20;
	[sflag:s22] =	ssyncset.done $0x0  }
0xa0: {  	[sflag:s22] =	ssyncadd.s32 s4;
	_ =	sdelay $0x1  }
0xa1: {  	s23 =	simm.s32 $0x1B8B  }
0xa2: {  	_ =	swait.ge [sflag:s23], $0x1  }
0xa3: {  	[sflag:s23] =	ssyncset.done $0x0  }
0xa4: {  	s25 =	simm.s32 $0x1B8E;
	s24 =	sld [smem:$0x3FFE];
	[sflag:s23] =	ssyncadd.s32 $0xFFFFFFFF  }
0xa5: {  	s26 =	simm.s32 $execute0_lowered;
	[smem:$0x3FD2] =	sst s25  }
0xa6: {  	s5 =	sshll.u32 s26, $0x1;
	_ =	strace $0x80000046;
	[dreg:$0x1] =	wrdreg $0xFFFFFFFF  }
0xa7: {  	s28 =	simm.s32 $_size_execute0_lowered;
	s3 =	sadd.s32 s3, s5;
	[dreg:$0x0] =	wrdreg $0x0  }
0xa8: {  	s5 =	sshll.u32 s28, $0x1;
	[dreg:$0x2] =	wrdreg s3  }
0xa9: {  	[dreg:$0x3] =	wrdreg s5  }
0xaa: {  	[dreg:$0x4] =	wrdreg $0xC0  }
0xab: {  	_ =	task [dreg:s7], $0x5FFFF  }
0xac: {  	[dreg:$0x1] =	wrdreg $0xFFFFFFFF  }
0xad: {  	[dreg:$0x0] =	wrdreg $0x60  }
0xae: {  	[dreg:$0x2] =	wrdreg s2  }
0xaf: {  	[dreg:$0x3] =	wrdreg s24  }
0xb0: {  	[dreg:$0x4] =	wrdreg $0x2BE80  }
0xb1: {  	[dreg:$0x5] =	wrdreg $0x9  }
0xb2: {  	_ =	task.clear_ibuf [dreg:s7], $0x6FFFF;
	_ =	strace $0x90000046  }
0xb3: {  	s29 =	simm.s32 $0x9;
	_ =	strace $0x80000048  }
0xb4: {  	_ =	swait.ge [sflag:s29], $0x1  }
0xb5: {  	[sflag:s29] =	ssyncadd.s32 $0xFFFFFFFF  }
0xb6: {  	_ =	strace $0x90000048  }
0xb7: {  	_ =	sfence  }
0xb8: {  	s30 =	sld [smem:$0x0];
	_ =	sdelay $0x2  }
0xb9: {  	s31 =	sshll.u32 s1, $0xD;
	s1 =	sshrl.u32 s1, $0x2  }
0xba: {  	s3 =	sand.u32 $0x4000, s31;
	s1 =	sadd.s32 s1, s30  }
0xbb: {  	s0 =	sor.u32 s3, s0;
	s1 =	sshll.u32 s1, $0x11  }
0xbc: {  	s0 =	sor.u32 s1, s0  }
0xbd: {  	s0 =	sadd.s32 $0x8F2B, s0  }
0xbe: {  	[sflag:s0] =	ssyncadd.remote.s32 $0x1  }
0xbf: {  	_ =	sfence.sel $0xFFFF  }
0xc0: {  	[dreg:$0x0] =	wrdreg $0xFFFFFFFF;
	(pc) =	sbr.abs _section_cstart, $3  }
0xc1: {  	[dreg:$0x1] =	wrdreg $0xFFFFFFFF  }
0xc2: {  	_ =	task.clear_ibuf [dreg:s7], $0x2FFFF;
	_ =	strace $0x9FFFFFFF  }
0xc3: {  	(tm) =	ssettm $0x7FFFFFFF  }
tec
execute0_lowered:
.L_overlay_start_1:
0x0: {  	(tag) =	ssettag $0x1  }
0x1: {  	s5 =	rddreg [dreg:$0x0]  }
0x2: {  	s6 =	rddreg [dreg:$0x1]  }
0x3: {  	s2 =	rddreg [dreg:$0x2]  }
0x4: {  	s0 =	rddreg [dreg:$0x3]  }
0x5: {  	s1 =	stileid.u32;
	s3 =	simm.s32 $0x0;
	s4 =	srdreg.scid  }
0x6: {  	s13 =	simm.s32 $0x0;
	s7 =	smul.u32 $0x3E8, s1;
	[smem:$0x7FF] =	sst s3  }
0x7: {  	s4 =	sand.u32 $0x1, s4;
	s10 =	sshll.u32 s1, $0x1;
	p0 =	sgt.u32 s1, $0x9  }
0x8: {  	s9 =	smul.u32 $0x2710, s4;
	_ =	strace $0x80000047;
	s10 =	sor.u32 s4, s10  }
0x9: {  	s11 =	ssub.s32 $0x2, s4;
	s4 =	sadd.s32 $0x2400, s6;
	s8 =	sshrl.u32 s7, $0x3  }
0xa: {  	s10 =	smul.u32 $0x4F0, s10;
	s12 =	sshrl.u32 s11, $0x1;
	s8 =	sadd.s32 s8, s6  }
0xb: {  	s9 =	sadd.s32 s7, s9;
	s11 =	ssub.s32 s11, s12;
	s7 =	sadd.s32 s7, s2  }
0xc: {  	s12 =	simm.s32 $0x80;
	s9 =	sshrl.u32 s9, $0x3;
	s5 =	sadd.s32 s5, s10  }
0xd: {  	s10 =	simm.s32 $0x1;
	s9 =	sadd.s32 s9, s6;
	s6 =	sadd.s32 $0x1E00, s8  }
0xe: {  	s8 =	sadd.s32 $0x2600, s9;
	s9 =	smax.u32 s11, $0x1;
	s11 =	simm.s32 $0x2780  }
.LBB2_1:
0xf: {  	[tilespmem:s3], [sflag:$0x1] =	stream.linear.gather [hbm4b:s5+s3], $0x2780, $0x38;
	[tilespmem:$0x2E60] =	vst v63  }
0x10: {  	_ =	swait.ge [sflag:s10], $0x2780  }
0x11: {  	[sflag:s10] =	ssyncset.done $0x0  }
0x12: {  	[sflag:s10] =	ssyncadd.s32 $0xFFFFD880  }
0x13: {  	[tilespmem:s11], [sflag:$0x1] =	stream.linear.gather [hbm4b:s4+s3], $0x80, $0x38;
	[tilespmem:$0x2E60] =	vst v63  }
0x14: {  	_ =	swait.ge [sflag:s10], $0x80  }
0x15: {  	[sflag:s10] =	ssyncset.done $0x0  }
0x16: {  	s14 =	simm.s32 @!p0 $0x0;
	s15 =	simm.s32 @!p0 $0x2800;
	[sflag:s10] =	ssyncadd.s32 $0xFFFFFF80  }
0x17: {  	[tilespmem:s15], [sflag:$0x1] =	stream.linear.gather @!p0 [hbm4b:s6+s14], $0x3E8, $0x38;
	[tilespmem:$0x2E60] =	vst v63  }
0x18: {  	s14 =	simm.s32 @!p0 $0x1  }
0x19: {  	_ =	swait.ge @!p0 [sflag:s14], $0x3E8  }
0x1a: {  	[sflag:s14] =	ssyncset.done @!p0 $0x0  }
0x1b: {  	[sflag:s14] =	ssyncadd.s32 @!p0 $0xFFFFFC18  }
0x1c: {  	[spmem:s7] =	stream.linear.scatter @!p0 [tilespmem:s15], [sflag:$0x1], $0x3E8, $0x38;
	[tilespmem:$0x2E60] =	vst v63  }
0x1d: {  	_ =	swait.ge @!p0 [sflag:s14], $0x3E8  }
0x1e: {  	[sflag:s14] =	ssyncset.done @!p0 $0x0  }
0x1f: {  	[sflag:s14] =	ssyncadd.s32 @!p0 $0xFFFFFC18  }
0x20: {  	s31 =	simm.s32 $0x0;
	[bflag:$0x0] =	sbarrier.arrive $0xFFFF  }
0x21: {  	[spmem:s2] =	stream.indirect.scatter.add.f32 [tilespmem:s11], [sflag:$0x1], $0x1, s31, s12, $0xb8;
	[tilespmem:$0x2E60] =	vst v63  }
0x22: {  	_ =	swait.ge [sflag:s10], $0x80  }
0x23: {  	s14 =	simm.s32 $0x200;
	[sflag:s10] =	ssyncset.done $0x0  }
.LBB2_2:
0x24: {  	s15 =	sshra.s32 s14, $0x2;
	[sflag:s10] =	ssyncadd.s32 $0xFFFFFF80;
	p1 =	sne.s32 s14, $0x9C00  }
0x25: {  	[spmem:s2] =	stream.indirect.scatter.add.f32 [tilespmem:s11], [sflag:$0x1], $0x1, s15, s12, $0xb8;
	[tilespmem:$0x2E60] =	vst v63  }
.Ltmp0:
0x26: {  	_ = 	snop;
	(pc) =	sbr.rel @p1 .LBB2_2-.Ltmp0, $4  }
0x27: {  	_ = 	snop  }
0x28: {  	s14 =	sadd.s32 $0x200, s14  }
0x29: {  	_ =	swait.ge [sflag:s10], $0x80  }
0x2a: {  	[sflag:s10] =	ssyncset.done $0x0  }
0x2b: {  	[sflag:s10] =	ssyncadd.s32 $0xFFFFFF80  }
0x2c: {  	s14 =	simm.s32 @!p0 $0x2800;
	s15 =	simm.s32 @!p0 $0x1;
	[bflag:$0x0] =	sbarrier.arrive $0xFFFF  }
0x2d: {  	[tilespmem:s14], [sflag:$0x1] =	stream.linear.gather @!p0 [spmem:s7], $0x3E8, $0x38;
	[tilespmem:$0x2E60] =	vst v63  }
0x2e: {  	s13 =	sadd.s32 $0x1, s13;
	_ =	swait.ge @!p0 [sflag:s15], $0x3E8  }
0x2f: {  	p1 =	sne.s32 s13, s9;
	[sflag:s15] =	ssyncset.done @!p0 $0x0  }
.Ltmp1:
0x30: {  	s16 =	simm.s32 @!p0 $0x0;
	[sflag:s15] =	ssyncadd.s32 @!p0 $0xFFFFFC18;
	(pc) =	sbr.rel @p1 .LBB2_1-.Ltmp1, $4  }
0x31: {  	[hbm4b:s8+s16] =	stream.linear.scatter @!p0 [tilespmem:s14], [sflag:$0x1], $0x3E8, $0x38;
	[tilespmem:$0x2E60] =	vst v63  }
0x32: {  	_ =	swait.ge @!p0 [sflag:s15], $0x3E8  }
0x33: {  	[sflag:s15] =	ssyncset.done @!p0 $0x0  }
0x34: {  	[sflag:s15] =	ssyncadd.s32 @!p0 $0xFFFFFC18  }
0x35: {  	_ =	sfence.sel $0x180000  }
0x36: {  	[bflag:$0x0] =	sbarrier.arrive $0xFFFF  }
0x37: {  	p0 =	sne.s32 s1, $0x0;
	_ =	strace $0x90000047  }
0x38: {  	s0 =	sadd.s32 @!p0 $0x100000, s0;
	[bflag:$0x2] =	sbarrier.arrive $0xFFFF  }
0x39: {  	[sflag:s0] =	ssyncadd.tile.s32 @!p0 $0x1;
	_ =	shalt  }
.Lfunc_end2:
_tile_overlayer_lowered:
.L_overlay_start_2:
0x3a: {  	(tag) =	ssettag $0x2  }
0x3b: {  	s0 =	rddreg [dreg:$0x0];
	s2 =	stileid.u32  }
0x3c: {  	s1 =	rddreg [dreg:$0x1];
	p0 =	sne.s32 s2, $0x0  }
0x3d: {  	s3 =	rddreg [dreg:$0x2];
	[bflag:$0x3] =	sbarrier.arrive $0xFFFF;
	s2 =	simm.s32 @!p0 $0x1C01  }
0x3e: {  	[timem:s3], [sflag:s2] =	dma.local @!p0 [hbm:s0], s1  }
0x3f: {  	s0 =	simm.s32 @!p0 $0x1  }
0x40: {  	_ =	swait.ge @!p0 [sflag:s0], s1  }
0x41: {  	s1 =	ssub.s32 @!p0 $0x0, s1;
	[sflag:s0] =	ssyncset.done @!p0 $0x0  }
0x42: {  	[sflag:s0] =	ssyncadd.s32 @!p0 s1  }
0x43: {  	[bflag:$0x3] =	sbarrier.arrive $0xFFFF  }
0x44: {  	_ =	shalt  }

</sc_bundles>
